<compile_context>
chip_gen: v7x
topology: tpu7x:2x2x1
jax: 0.10.2.dev20260603
libtpu: 0.0.44.dev20260713+nightly
codegen_flags: <defaults>
</compile_context>

<pallas_src>
import functools

import jax
import jax.numpy as jnp
from jax import lax
from jax.experimental import pallas as pl
from jax.experimental.pallas import tpu as pltpu
from jax.experimental.pallas import tpu_sc as plsc

_NW = 32
_CHUNK = 128
_GROUPS = _CHUNK // 16
_UNROLL = 4
_F = 128


def _logp(S):
    f32 = jnp.float32
    b = plsc.bitcast(S, jnp.int32)
    ex = jnp.right_shift(b, 23) - 127
    m = plsc.bitcast(
        jnp.bitwise_or(jnp.bitwise_and(b, 0x007FFFFF), 0x3F800000), jnp.float32)
    adj = m > f32(1.41421356)
    m = jnp.where(adj, m * f32(0.5), m)
    ex = ex + jnp.where(adj, 1, 0)
    t = (m - f32(1.0)) / (m + f32(1.0))
    t2 = t * t
    p = f32(2.0) * t * (f32(1.0) + t2 * (f32(1.0 / 3.0) + t2 * (f32(0.2) + t2 * f32(1.0 / 7.0))))
    return ex.astype(jnp.float32) * f32(0.69314718) + p


def _sc_body(o_hbm, t_hbm, loss_out, num_out,
             o_buf0, o_buf1, t_buf0, t_buf1, m_buf, slots, part_f, part_i,
             sem_o0, sem_o1, sem_t0, sem_t1):
    f32 = jnp.float32
    i32 = jnp.int32
    CF = _CHUNK * _F
    c = jax.lax.axis_index("c")
    s = jax.lax.axis_index("s")
    wid = c * 16 + s
    n_el = o_hbm.shape[0]
    epw = n_el // _NW
    nchunk = epw // CF
    base = wid * epw
    lane = lax.iota(i32, 16)
    zf = jnp.zeros((16,), f32)
    zi = jnp.zeros((16,), i32)

    def issue(ci, o_b, t_b, s_o, s_t):
        off = base + ci * CF
        pltpu.async_copy(o_hbm.at[pl.ds(off, CF)], o_b, s_o)
        pltpu.async_copy(t_hbm.at[pl.ds(off, CF)], t_b, s_t)

    def wait(o_b, t_b, s_o, s_t):
        pltpu.make_async_copy(o_hbm.at[pl.ds(0, CF)], o_b, s_o).wait()
        pltpu.make_async_copy(t_hbm.at[pl.ds(0, CF)], t_b, s_t).wait()

    lane_slot = lane * 133

    def process(o_ref, t_ref, lv, nv):
        @plsc.parallel_loop(0, CF // 16, unroll=_UNROLL)
        def merge(i):
            ob = o_ref[pl.ds(i * 16, 16)]
            tb = t_ref[pl.ds(i * 16, 16)]
            m_buf[pl.ds(i * 16, 16)] = jnp.bitwise_or(
                jnp.bitwise_and(plsc.bitcast(ob, i32), -2), tb)

        def gbody(g, carry):
            lv, nv = carry
            elem0 = (g * 16 + lane) * _F

            @plsc.parallel_loop(0, _F, unroll=_UNROLL, carry=(zf, zi))
            def floop(f, c2):
                s_run, cnt = c2
                mv = plsc.load_gather(m_buf, [elem0 + f])
                tv = jnp.bitwise_and(mv, 1)
                is1 = tv != 0
                ov = plsc.bitcast(jnp.bitwise_and(mv, -2), f32)
                e = jnp.exp(ov)
                s_run = s_run + jnp.where(is1, f32(0.0), e)
                sel = jnp.logical_and(is1, cnt < 5)
                plsc.store_scatter(slots, [cnt + lane_slot], ov, mask=sel)
                cnt = cnt + tv
                return s_run, cnt

            s_run, cnt = floop
            for i in range(5):
                o_t = plsc.load_gather(slots, [lane_slot + i])
                valid = cnt > i
                S = s_run + jnp.exp(o_t)
                nll = _logp(S) - o_t
                lv = lv + jnp.where(valid, nll, f32(0.0))
            nv = nv + cnt
            return lv, nv

        return lax.fori_loop(0, _GROUPS, gbody, (lv, nv))

    issue(0, o_buf0, t_buf0, sem_o0, sem_t0)
    issue(1, o_buf1, t_buf1, sem_o1, sem_t1)

    def cbody(cc, carry):
        lv, nv = carry
        wait(o_buf0, t_buf0, sem_o0, sem_t0)
        lv, nv = process(o_buf0, t_buf0, lv, nv)

        @pl.when(cc < nchunk // 2 - 1)
        def _():
            issue(2 * cc + 2, o_buf0, t_buf0, sem_o0, sem_t0)

        wait(o_buf1, t_buf1, sem_o1, sem_t1)
        lv, nv = process(o_buf1, t_buf1, lv, nv)

        @pl.when(cc < nchunk // 2 - 1)
        def _():
            issue(2 * cc + 3, o_buf1, t_buf1, sem_o1, sem_t1)

        return lv, nv

    loss_vec, num_vec = lax.fori_loop(0, nchunk // 2, cbody, (zf, zi))

    part_f[...] = loss_vec
    part_i[...] = num_vec
    pltpu.sync_copy(part_f, loss_out.at[pl.ds(wid * 16, 16)])
    pltpu.sync_copy(part_i, num_out.at[pl.ds(wid * 16, 16)])



_NEG = -1e30
_K = 5


def _tc_body(out_ref, tgt_ref, loss_ref, num_ref, *, nsteps):
    i = pl.program_id(0)

    @pl.when(i == 0)
    def _init():
        loss_ref[0, 0] = jnp.float32(0.0)
        num_ref[0, 0] = jnp.float32(0.0)

    o = out_ref[...]
    t = tgt_ref[...]
    f32 = jnp.float32
    tf = t.astype(f32)
    F = o.shape[1]

    neg = t == 0
    m_neg = jnp.max(jnp.where(neg, o, _NEG), axis=1, keepdims=True)
    e = jnp.exp(o - m_neg)
    s_neg = jnp.sum(jnp.where(neg, e, f32(0.0)), axis=1, keepdims=True)

    gi = lax.broadcasted_iota(jnp.int32, (F, F), 0)
    fi = lax.broadcasted_iota(jnp.int32, (F, F), 1)
    tri = (gi < fi).astype(f32)
    csum = jnp.dot(tf, tri, preferred_element_type=f32)
    sel = jnp.logical_and(t == 1, csum < f32(_K) - f32(0.5))

    S = jnp.where(o <= m_neg, s_neg + e, s_neg / e + f32(1.0))
    Sm = jnp.where(sel, S, f32(1.0))
    p = Sm
    while p.shape[1] > 1:
        h = p.shape[1] // 2
        p = p[:, :h] * p[:, h:]
    relu = jnp.where(sel, jnp.maximum(m_neg - o, f32(0.0)), f32(0.0))
    loss_ref[0, 0] += jnp.sum(jnp.log(p[:, 0])) + jnp.sum(relu)
    num_ref[0, 0] += jnp.sum(tf)


def _run_tc_partial(outputs2, targets2, rows_per_block=2048):
    n_rows = outputs2.shape[0]
    nsteps = n_rows // rows_per_block
    loss, num = pl.pallas_call(
        functools.partial(_tc_body, nsteps=nsteps),
        grid=(nsteps,),
        in_specs=[
            pl.BlockSpec((rows_per_block, outputs2.shape[1]), lambda i: (i, 0)),
            pl.BlockSpec((rows_per_block, outputs2.shape[1]), lambda i: (i, 0)),
        ],
        out_specs=[
            pl.BlockSpec(memory_space=pltpu.SMEM),
            pl.BlockSpec(memory_space=pltpu.SMEM),
        ],
        out_shape=[
            jax.ShapeDtypeStruct((1, 1), jnp.float32),
            jax.ShapeDtypeStruct((1, 1), jnp.float32),
        ],
    )(outputs2, targets2)
    return loss[0, 0], num[0, 0]


def _run_sc(outputs2, targets2):
    mesh = plsc.VectorSubcoreMesh(core_axis_name="c", subcore_axis_name="s")
    CF = _CHUNK * _F
    loss_p, num_p = pl.kernel(
        _sc_body,
        out_type=[
            jax.ShapeDtypeStruct((_NW * 16,), jnp.float32),
            jax.ShapeDtypeStruct((_NW * 16,), jnp.int32),
        ],
        mesh=mesh,
        compiler_params=pltpu.CompilerParams(needs_layout_passes=False),
        scratch_types=[
            pltpu.VMEM((CF,), jnp.float32),
            pltpu.VMEM((CF,), jnp.float32),
            pltpu.VMEM((CF,), jnp.int32),
            pltpu.VMEM((CF,), jnp.int32),
            pltpu.VMEM((CF,), jnp.int32),
            pltpu.VMEM((16 * 133,), jnp.float32),
            pltpu.VMEM((16,), jnp.float32),
            pltpu.VMEM((16,), jnp.int32),
            pltpu.SemaphoreType.DMA,
            pltpu.SemaphoreType.DMA,
            pltpu.SemaphoreType.DMA,
            pltpu.SemaphoreType.DMA,
        ],
    )(outputs2.reshape(-1), targets2.reshape(-1))
    return loss_p, num_p


_SC_ROWS = 24576


def kernel(outputs, targets, targets_mask):
    B, T, F = targets.shape
    outputs2 = outputs.reshape(B * T, F)
    targets2 = targets.reshape(B * T, F)
    tc_l, tc_n = _run_tc_partial(outputs2[:-_SC_ROWS], targets2[:-_SC_ROWS])
    sc_l, sc_n = _run_sc(outputs2[-_SC_ROWS:], targets2[-_SC_ROWS:])
    loss = tc_l + jnp.sum(sc_l)
    num = tc_n + jnp.sum(sc_n).astype(jnp.float32)
    return jnp.where(num > 0, loss / num, jnp.float32(0.0))

# --- scband reference (transcript-rebuilt; emitter-appended) ---
"""Pipeline reference for scband-frame-level-multi-pitch-celoss-17738214932599 (READ-ONLY COPY).

The authoritative reference and input builder live on the scoring server;
editing this copy changes nothing except your own understanding.
"""

import jax, jax.numpy as jnp
import numpy as np

TOKEN_PAD = -100
TOPK = 5


def setup_inputs(seed: int = 0) -> dict:
    key = jax.random.key(seed)
    k1, k2 = jax.random.split(key)
    B, T, F = 16, 4096, 128
    outputs = jax.random.normal(k1, (B, T, F), dtype=jnp.float32)
    targets = jax.random.randint(k2, (B, T, F), 0, 2, dtype=jnp.int32)
    targets_mask = jnp.ones((B, T, F), dtype=jnp.int32)
    return {"outputs": outputs, "targets": targets, "targets_mask": targets_mask}


def _forward(outputs, targets):
    B, T, F = targets.shape
    outputs2 = outputs.reshape(B * T, F)
    targets2 = targets.reshape(B * T, F)
    # topk over the multihot targets (values in {0,1})
    values, tokens = jax.lax.top_k(targets2, TOPK)
    tokens = jnp.where(values == 0, TOKEN_PAD, tokens)
    batch_idx = jnp.arange(B * T)
    min_out = jnp.minimum(outputs2.min(), jnp.float32(-9999999999.0))
    loss = jnp.float32(0.0)
    for i in range(TOPK):
        tokens_i = tokens[:, i]
        values_i = values[:, i]
        # tokens_i[values_i == 0] = 0 (for the scatter)
        tokens_scatter = jnp.where(values_i == 0, 0, tokens_i)
        # outputs_ignore = clone(targets); outputs_ignore[batch_idx, tokens_i] = 0
        ign = targets2.at[batch_idx, tokens_scatter].set(0)
        ign = jax.lax.stop_gradient(ign.astype(jnp.float32) * min_out)
        outputs_i = outputs2 + ign
        # tokens_i[values_i == 0] = TOKEN_PAD (already TOKEN_PAD via the pre-loop where)
        tokens_pad = jnp.where(values_i == 0, TOKEN_PAD, tokens_i)
        # CrossEntropyLoss(ignore_index=TOKEN_PAD, reduction='sum')
        logp = jax.nn.log_softmax(outputs_i, axis=-1)
        valid = tokens_pad != TOKEN_PAD
        tgt = jnp.where(valid, tokens_pad, 0)
        nll = -jnp.take_along_axis(logp, tgt[:, None], axis=-1)[:, 0]
        loss = loss + jnp.sum(jnp.where(valid, nll, jnp.float32(0.0)))
    num = targets2.sum()
    denom = jnp.where(num > 0, num, 1)
    loss = jnp.where(num > 0, loss / denom, loss * 0.0)
    return loss


def reference(outputs, targets, targets_mask):
    return _forward(outputs, targets)

if __name__ == "__main__":
    import jax
    _d = setup_inputs()
    print(jax.jit(kernel)(*tuple(_d.values())))

</pallas_src>

<mosaic_0001>
#map = affine_map<(d0, d1) -> (0)>
module attributes {stable_mosaic.version = 14 : i64} {
  func.func @_sc_body(%arg0: i32, %arg1: i32, %arg2: memref<3145728xf32, #tpu.memory_space<hbm>>, %arg3: memref<3145728xi32, #tpu.memory_space<hbm>>, %arg4: memref<512xf32, #tpu.memory_space<hbm>>, %arg5: memref<512xi32, #tpu.memory_space<hbm>>, %arg6: memref<16384xf32, #tpu.memory_space<vmem>>, %arg7: memref<16384xf32, #tpu.memory_space<vmem>>, %arg8: memref<16384xi32, #tpu.memory_space<vmem>>, %arg9: memref<16384xi32, #tpu.memory_space<vmem>>, %arg10: memref<16384xi32, #tpu.memory_space<vmem>>, %arg11: memref<2128xf32, #tpu.memory_space<vmem>>, %arg12: memref<16xf32, #tpu.memory_space<vmem>>, %arg13: memref<16xi32, #tpu.memory_space<vmem>>, %arg14: memref<!tpu.dma_semaphore, #tpu.memory_space<semaphore_mem>>, %arg15: memref<!tpu.dma_semaphore, #tpu.memory_space<semaphore_mem>>, %arg16: memref<!tpu.dma_semaphore, #tpu.memory_space<semaphore_mem>>, %arg17: memref<!tpu.dma_semaphore, #tpu.memory_space<semaphore_mem>>) attributes {dimension_semantics = [#tpu.dimension_semantics<core_parallel>, #tpu.dimension_semantics<subcore_parallel>], iteration_bounds = array<i64: 2, 16>, scalar_prefetch = 0 : i64, scratch_operands = 12 : i64, tpu.core_type = #tpu.core_type<sc_vector_subcore>, window_params = [{transform_indices = #map}, {transform_indices = #map}, {transform_indices = #map}, {transform_indices = #map}]} {
    %mul3A = arith.constant 16 : i32
    %mul3A_0 = arith.muli %arg0, %mul3A : i32
    %add3A = arith.addi %mul3A_0, %arg1 : i32
    %mul3A_1 = arith.constant 98304 : i32
    %mul3A_2 = arith.muli %add3A, %mul3A_1 : i32
    %iota3A = tpu.iota {dimensions = array<i32: 0>} : vector<16xi32>
    %broadcast_in_dim3A = arith.constant 0.000000e+00 : f32
    %broadcast_in_dim3A_3 = vector.broadcast %broadcast_in_dim3A : f32 to vector<16xf32>
    %broadcast_in_dim3A_4 = arith.constant 0 : i32
    %broadcast_in_dim3A_5 = vector.broadcast %broadcast_in_dim3A_4 : i32 to vector<16xi32>
    %mul3A_6 = arith.constant 133 : i32
    %mul3A_7 = vector.broadcast %mul3A_6 : i32 to vector<16xi32>
    %mul3A_8 = arith.muli %iota3A, %mul3A_7 : vector<16xi32>
    %add3A_9 = arith.constant 0 : i32
    %add3A_10 = arith.addi %mul3A_2, %add3A_9 : i32
    %dma_start3A = tpu.memref_slice %arg2[%add3A_10] : memref<3145728xf32, #tpu.memory_space<hbm>> -> memref<16384xf32, #tpu.memory_space<hbm>>
    %dma_start3A_11 = tpu.memref_slice %arg2[%add3A_10] : memref<3145728xf32, #tpu.memory_space<hbm>> -> memref<16384xf32, #tpu.memory_space<hbm>>
    tpu.enqueue_dma source(%dma_start3A_11 : memref<16384xf32, #tpu.memory_space<hbm>>) target(%arg6 : memref<16384xf32, #tpu.memory_space<vmem>>) target_semaphore(%arg14 : memref<!tpu.dma_semaphore, #tpu.memory_space<semaphore_mem>>)
    %dma_start3A_12 = tpu.memref_slice %arg3[%add3A_10] : memref<3145728xi32, #tpu.memory_space<hbm>> -> memref<16384xi32, #tpu.memory_space<hbm>>
    %dma_start3A_13 = tpu.memref_slice %arg3[%add3A_10] : memref<3145728xi32, #tpu.memory_space<hbm>> -> memref<16384xi32, #tpu.memory_space<hbm>>
    tpu.enqueue_dma source(%dma_start3A_13 : memref<16384xi32, #tpu.memory_space<hbm>>) target(%arg8 : memref<16384xi32, #tpu.memory_space<vmem>>) target_semaphore(%arg16 : memref<!tpu.dma_semaphore, #tpu.memory_space<semaphore_mem>>)
    %add3A_14 = arith.constant 16384 : i32
    %add3A_15 = arith.addi %mul3A_2, %add3A_14 : i32
    %dma_start3A_16 = tpu.memref_slice %arg2[%add3A_15] : memref<3145728xf32, #tpu.memory_space<hbm>> -> memref<16384xf32, #tpu.memory_space<hbm>>
    %dma_start3A_17 = tpu.memref_slice %arg2[%add3A_15] : memref<3145728xf32, #tpu.memory_space<hbm>> -> memref<16384xf32, #tpu.memory_space<hbm>>
    tpu.enqueue_dma source(%dma_start3A_17 : memref<16384xf32, #tpu.memory_space<hbm>>) target(%arg7 : memref<16384xf32, #tpu.memory_space<vmem>>) target_semaphore(%arg15 : memref<!tpu.dma_semaphore, #tpu.memory_space<semaphore_mem>>)
    %dma_start3A_18 = tpu.memref_slice %arg3[%add3A_15] : memref<3145728xi32, #tpu.memory_space<hbm>> -> memref<16384xi32, #tpu.memory_space<hbm>>
    %dma_start3A_19 = tpu.memref_slice %arg3[%add3A_15] : memref<3145728xi32, #tpu.memory_space<hbm>> -> memref<16384xi32, #tpu.memory_space<hbm>>
    tpu.enqueue_dma source(%dma_start3A_19 : memref<16384xi32, #tpu.memory_space<hbm>>) target(%arg9 : memref<16384xi32, #tpu.memory_space<vmem>>) target_semaphore(%arg17 : memref<!tpu.dma_semaphore, #tpu.memory_space<semaphore_mem>>)
    %scan3A = arith.constant 0 : i32
    %scan3A_20 = arith.constant 3 : i32
    %scan3A_21 = arith.addi %scan3A, %scan3A_20 : i32
    %scan3A_22 = arith.constant 1 : i32
    %scan3A_23:2 = scf.for %scan3A_32 = %scan3A to %scan3A_21 step %scan3A_22 iter_args(%scan3A_33 = %broadcast_in_dim3A_3, %scan3A_34 = %broadcast_in_dim3A_5) -> (vector<16xf32>, vector<16xi32>)  : i32 {
      %dma_wait3A = arith.constant 0 : i32
      %dma_wait3A_35 = tpu.memref_slice %arg2[%dma_wait3A] : memref<3145728xf32, #tpu.memory_space<hbm>> -> memref<16384xf32, #tpu.memory_space<hbm>>
      %dma_wait3A_36 = arith.constant 0 : i32
      %dma_wait3A_37 = tpu.memref_slice %arg2[%dma_wait3A_36] : memref<3145728xf32, #tpu.memory_space<hbm>> -> memref<16384xf32, #tpu.memory_space<hbm>>
      tpu.wait_dma2 semaphore(%arg14 : memref<!tpu.dma_semaphore, #tpu.memory_space<semaphore_mem>>) src(%dma_wait3A_37 : memref<16384xf32, #tpu.memory_space<hbm>>) dst(%arg6 : memref<16384xf32, #tpu.memory_space<vmem>>)
      %dma_wait3A_38 = arith.constant 0 : i32
      %dma_wait3A_39 = tpu.memref_slice %arg3[%dma_wait3A_38] : memref<3145728xi32, #tpu.memory_space<hbm>> -> memref<16384xi32, #tpu.memory_space<hbm>>
      %dma_wait3A_40 = arith.constant 0 : i32
      %dma_wait3A_41 = tpu.memref_slice %arg3[%dma_wait3A_40] : memref<3145728xi32, #tpu.memory_space<hbm>> -> memref<16384xi32, #tpu.memory_space<hbm>>
      tpu.wait_dma2 semaphore(%arg16 : memref<!tpu.dma_semaphore, #tpu.memory_space<semaphore_mem>>) src(%dma_wait3A_41 : memref<16384xi32, #tpu.memory_space<hbm>>) dst(%arg8 : memref<16384xi32, #tpu.memory_space<vmem>>)
      %parallel_loop3A = arith.constant 0 : i32
      %parallel_loop3A_42 = arith.constant 1024 : i32
      %parallel_loop3A_43 = arith.constant 1 : i32
      scf.for %parallel_loop3A_74 = %parallel_loop3A to %parallel_loop3A_42 step %parallel_loop3A_43  : i32 {
        %parallel_loop3A_75 = arith.constant 16 : i32
        %parallel_loop3A_76 = arith.muli %parallel_loop3A_74, %parallel_loop3A_75 : i32
        %parallel_loop3A_77 = arith.index_cast %parallel_loop3A_76 : i32 to index
        %parallel_loop3A_78 = tpu.vector_load %arg6[%parallel_loop3A_77] {strides = array<i32>} : memref<16384xf32, #tpu.memory_space<vmem>>, vector<16xf32>,
        %parallel_loop3A_79 = arith.constant 16 : i32
        %parallel_loop3A_80 = arith.muli %parallel_loop3A_74, %parallel_loop3A_79 : i32
        %parallel_loop3A_81 = arith.index_cast %parallel_loop3A_80 : i32 to index
        %parallel_loop3A_82 = tpu.vector_load %arg8[%parallel_loop3A_81] {strides = array<i32>} : memref<16384xi32, #tpu.memory_space<vmem>>, vector<16xi32>,
        %parallel_loop3A_83 = vector.bitcast %parallel_loop3A_78 : vector<16xf32> to vector<16xi32>
        %parallel_loop3A_84 = arith.constant -2 : i32
        %parallel_loop3A_85 = vector.broadcast %parallel_loop3A_84 : i32 to vector<16xi32>
        %parallel_loop3A_86 = arith.andi %parallel_loop3A_83, %parallel_loop3A_85 : vector<16xi32>
        %parallel_loop3A_87 = arith.ori %parallel_loop3A_86, %parallel_loop3A_82 : vector<16xi32>
        %parallel_loop3A_88 = arith.constant 16 : i32
        %parallel_loop3A_89 = arith.muli %parallel_loop3A_74, %parallel_loop3A_88 : i32
        %parallel_loop3A_90 = arith.index_cast %parallel_loop3A_89 : i32 to index
        %parallel_loop3A_91 = tpu.vector_load %arg10[%parallel_loop3A_90] {strides = array<i32>} : memref<16384xi32, #tpu.memory_space<vmem>>, vector<16xi32>,
        tpu.vector_store %arg10[%parallel_loop3A_90], %parallel_loop3A_87 {strides = array<i32>} : memref<16384xi32, #tpu.memory_space<vmem>>, vector<16xi32>,
      } {sc.loop_unroll_factor = 4 : i64, sc.parallel_access}
      %scan3A_44 = arith.constant 0 : i32
      %scan3A_45 = arith.constant 8 : i32
      %scan3A_46 = arith.addi %scan3A_44, %scan3A_45 : i32
      %scan3A_47 = arith.constant 1 : i32
      %scan3A_48:2 = scf.for %scan3A_74 = %scan3A_44 to %scan3A_46 step %scan3A_47 iter_args(%scan3A_75 = %scan3A_33, %scan3A_76 = %scan3A_34) -> (vector<16xf32>, vector<16xi32>)  : i32 {
        %mul3A_77 = arith.constant 16 : i32
        %mul3A_78 = arith.muli %scan3A_74, %mul3A_77 : i32
        %add3A_79 = vector.broadcast %mul3A_78 : i32 to vector<16xi32>
        %add3A_80 = arith.addi %add3A_79, %iota3A : vector<16xi32>
        %mul3A_81 = arith.constant 128 : i32
        %mul3A_82 = vector.broadcast %mul3A_81 : i32 to vector<16xi32>
        %mul3A_83 = arith.muli %add3A_80, %mul3A_82 : vector<16xi32>
        %parallel_loop3A_84 = arith.constant 0 : i32
        %parallel_loop3A_85 = arith.constant 128 : i32
        %parallel_loop3A_86 = arith.constant 1 : i32
        %parallel_loop3A_87:2 = scf.for %parallel_loop3A_438 = %parallel_loop3A_84 to %parallel_loop3A_85 step %parallel_loop3A_86 iter_args(%parallel_loop3A_439 = %broadcast_in_dim3A_3, %parallel_loop3A_440 = %broadcast_in_dim3A_5) -> (vector<16xf32>, vector<16xi32>)  : i32 {
          %parallel_loop3A_441 = vector.broadcast %parallel_loop3A_438 : i32 to vector<16xi32>
          %parallel_loop3A_442 = arith.addi %mul3A_83, %parallel_loop3A_441 : vector<16xi32>
          %parallel_loop3A_443 = tpu.vector_load_idx %arg10[%parallel_loop3A_442] : memref<16384xi32, #tpu.memory_space<vmem>>[vector<16xi32>], vector<16xi32>,
          %parallel_loop3A_444 = arith.constant 1 : i32
          %parallel_loop3A_445 = vector.broadcast %parallel_loop3A_444 : i32 to vector<16xi32>
          %parallel_loop3A_446 = arith.andi %parallel_loop3A_443, %parallel_loop3A_445 : vector<16xi32>
          %parallel_loop3A_447 = arith.constant 0 : i32
          %parallel_loop3A_448 = vector.broadcast %parallel_loop3A_447 : i32 to vector<16xi32>
          %parallel_loop3A_449 = arith.cmpi ne, %parallel_loop3A_446, %parallel_loop3A_448 : vector<16xi32>
          %parallel_loop3A_450 = arith.constant -2 : i32
          %parallel_loop3A_451 = vector.broadcast %parallel_loop3A_450 : i32 to vector<16xi32>
          %parallel_loop3A_452 = arith.andi %parallel_loop3A_443, %parallel_loop3A_451 : vector<16xi32>
          %parallel_loop3A_453 = vector.bitcast %parallel_loop3A_452 : vector<16xi32> to vector<16xf32>
          %parallel_loop3A_454 = math.exp %parallel_loop3A_453 : vector<16xf32>
          %parallel_loop3A_455 = arith.constant 0.000000e+00 : f32
          %parallel_loop3A_456 = vector.broadcast %parallel_loop3A_455 : f32 to vector<16xf32>
          %parallel_loop3A_457 = arith.select %parallel_loop3A_449, %parallel_loop3A_456, %parallel_loop3A_454 : vector<16xi1>, vector<16xf32>
          %parallel_loop3A_458 = arith.addf %parallel_loop3A_439, %parallel_loop3A_457 : vector<16xf32>
          %parallel_loop3A_459 = arith.constant 5 : i32
          %parallel_loop3A_460 = vector.broadcast %parallel_loop3A_459 : i32 to vector<16xi32>
          %parallel_loop3A_461 = arith.cmpi slt, %parallel_loop3A_440, %parallel_loop3A_460 : vector<16xi32>
          %parallel_loop3A_462 = arith.andi %parallel_loop3A_449, %parallel_loop3A_461 : vector<16xi1>
          %parallel_loop3A_463 = arith.addi %parallel_loop3A_440, %mul3A_8 : vector<16xi32>
          tpu.vector_store_idx %arg11[%parallel_loop3A_463], %parallel_loop3A_453 masked %parallel_loop3A_462 : memref<2128xf32, #tpu.memory_space<vmem>>[vector<16xi32>], vector<16xf32>, vector<16xi1>
          %parallel_loop3A_464 = arith.addi %parallel_loop3A_440, %parallel_loop3A_446 : vector<16xi32>
          scf.yield %parallel_loop3A_458, %parallel_loop3A_464 : vector<16xf32>, vector<16xi32>
        } {sc.loop_unroll_factor = 4 : i64, sc.parallel_access}
        %add3A_88 = arith.constant 0 : i32
        %add3A_89 = vector.broadcast %add3A_88 : i32 to vector<16xi32>
        %add3A_90 = arith.addi %mul3A_8, %add3A_89 : vector<16xi32>
        %gather3A = tpu.vector_load_idx %arg11[%add3A_90] : memref<2128xf32, #tpu.memory_space<vmem>>[vector<16xi32>], vector<16xf32>,
        %gt3A = arith.constant 0 : i32
        %gt3A_91 = vector.broadcast %gt3A : i32 to vector<16xi32>
        %gt3A_92 = arith.cmpi sgt, %parallel_loop3A_87#1, %gt3A_91 : vector<16xi32>
        %exp3A = math.exp %gather3A : vector<16xf32>
        %add3A_93 = arith.addf %parallel_loop3A_87#0, %exp3A : vector<16xf32>
        %bitcast3A = vector.bitcast %add3A_93 : vector<16xf32> to vector<16xi32>
        %shift_right_arithmetic3A = arith.constant 23 : i32
        %shift_right_arithmetic3A_94 = vector.broadcast %shift_right_arithmetic3A : i32 to vector<16xi32>
        %shift_right_arithmetic3A_95 = arith.shrsi %bitcast3A, %shift_right_arithmetic3A_94 : vector<16xi32>
        %sub3A = arith.constant 127 : i32
        %sub3A_96 = vector.broadcast %sub3A : i32 to vector<16xi32>
        %sub3A_97 = arith.subi %shift_right_arithmetic3A_95, %sub3A_96 : vector<16xi32>
        %and3A = arith.constant 8388607 : i32
        %and3A_98 = vector.broadcast %and3A : i32 to vector<16xi32>
        %and3A_99 = arith.andi %bitcast3A, %and3A_98 : vector<16xi32>
        %or3A = arith.constant 1065353216 : i32
        %or3A_100 = vector.broadcast %or3A : i32 to vector<16xi32>
        %or3A_101 = arith.ori %and3A_99, %or3A_100 : vector<16xi32>
        %bitcast3A_102 = vector.bitcast %or3A_101 : vector<16xi32> to vector<16xf32>
        %gt3A_103 = arith.constant 1.41421354 : f32
        %gt3A_104 = vector.broadcast %gt3A_103 : f32 to vector<16xf32>
        %gt3A_105 = arith.cmpf ogt, %bitcast3A_102, %gt3A_104 : vector<16xf32>
        %mul3A_106 = arith.constant 5.000000e-01 : f32
        %mul3A_107 = vector.broadcast %mul3A_106 : f32 to vector<16xf32>
        %mul3A_108 = arith.mulf %bitcast3A_102, %mul3A_107 : vector<16xf32>
        %select_n3A = arith.select %gt3A_105, %mul3A_108, %bitcast3A_102 : vector<16xi1>, vector<16xf32>
        %jit3A = arith.constant 1 : i32
        %jit3A_109 = arith.constant 0 : i32
        %broadcast_in_dim3A_110 = vector.broadcast %jit3A : i32 to vector<16xi32>
        %broadcast_in_dim3A_111 = vector.broadcast %jit3A_109 : i32 to vector<16xi32>
        %select_n3A_112 = arith.select %gt3A_105, %broadcast_in_dim3A_110, %broadcast_in_dim3A_111 : vector<16xi1>, vector<16xi32>
        %add3A_113 = arith.addi %sub3A_97, %select_n3A_112 : vector<16xi32>
        %sub3A_114 = arith.constant 1.000000e+00 : f32
        %sub3A_115 = vector.broadcast %sub3A_114 : f32 to vector<16xf32>
        %sub3A_116 = arith.subf %select_n3A, %sub3A_115 : vector<16xf32>
        %add3A_117 = arith.constant 1.000000e+00 : f32
        %add3A_118 = vector.broadcast %add3A_117 : f32 to vector<16xf32>
        %add3A_119 = arith.addf %select_n3A, %add3A_118 : vector<16xf32>
        %div3A = arith.divf %sub3A_116, %add3A_119 : vector<16xf32>
        %mul3A_120 = arith.mulf %div3A, %div3A : vector<16xf32>
        %mul3A_121 = arith.constant 2.000000e+00 : f32
        %mul3A_122 = vector.broadcast %mul3A_121 : f32 to vector<16xf32>
        %mul3A_123 = arith.mulf %mul3A_122, %div3A : vector<16xf32>
        %mul3A_124 = arith.constant 0.142857149 : f32
        %mul3A_125 = vector.broadcast %mul3A_124 : f32 to vector<16xf32>
        %mul3A_126 = arith.mulf %mul3A_120, %mul3A_125 : vector<16xf32>
        %add3A_127 = arith.constant 2.000000e-01 : f32
        %add3A_128 = vector.broadcast %add3A_127 : f32 to vector<16xf32>
        %add3A_129 = arith.addf %add3A_128, %mul3A_126 : vector<16xf32>
        %mul3A_130 = arith.mulf %mul3A_120, %add3A_129 : vector<16xf32>
        %add3A_131 = arith.constant 0.333333343 : f32
        %add3A_132 = vector.broadcast %add3A_131 : f32 to vector<16xf32>
        %add3A_133 = arith.addf %add3A_132, %mul3A_130 : vector<16xf32>
        %mul3A_134 = arith.mulf %mul3A_120, %add3A_133 : vector<16xf32>
        %add3A_135 = arith.constant 1.000000e+00 : f32
        %add3A_136 = vector.broadcast %add3A_135 : f32 to vector<16xf32>
        %add3A_137 = arith.addf %add3A_136, %mul3A_134 : vector<16xf32>
        %mul3A_138 = arith.mulf %mul3A_123, %add3A_137 : vector<16xf32>
        %convert_element_type3A_139 = arith.sitofp %add3A_113 : vector<16xi32> to vector<16xf32>
        %mul3A_140 = arith.constant 0.693147182 : f32
        %mul3A_141 = vector.broadcast %mul3A_140 : f32 to vector<16xf32>
        %mul3A_142 = arith.mulf %convert_element_type3A_139, %mul3A_141 : vector<16xf32>
        %add3A_143 = arith.addf %mul3A_142, %mul3A_138 : vector<16xf32>
        %sub3A_144 = arith.subf %add3A_143, %gather3A : vector<16xf32>
        %jit3A_145 = arith.constant 0.000000e+00 : f32
        %broadcast_in_dim3A_146 = vector.broadcast %jit3A_145 : f32 to vector<16xf32>
        %select_n3A_147 = arith.select %gt3A_92, %sub3A_144, %broadcast_in_dim3A_146 : vector<16xi1>, vector<16xf32>
        %add3A_148 = arith.addf %scan3A_75, %select_n3A_147 : vector<16xf32>
        %add3A_149 = arith.constant 1 : i32
        %add3A_150 = vector.broadcast %add3A_149 : i32 to vector<16xi32>
        %add3A_151 = arith.addi %mul3A_8, %add3A_150 : vector<16xi32>
        %gather3A_152 = tpu.vector_load_idx %arg11[%add3A_151] : memref<2128xf32, #tpu.memory_space<vmem>>[vector<16xi32>], vector<16xf32>,
        %gt3A_153 = arith.constant 1 : i32
        %gt3A_154 = vector.broadcast %gt3A_153 : i32 to vector<16xi32>
        %gt3A_155 = arith.cmpi sgt, %parallel_loop3A_87#1, %gt3A_154 : vector<16xi32>
        %exp3A_156 = math.exp %gather3A_152 : vector<16xf32>
        %add3A_157 = arith.addf %parallel_loop3A_87#0, %exp3A_156 : vector<16xf32>
        %bitcast3A_158 = vector.bitcast %add3A_157 : vector<16xf32> to vector<16xi32>
        %shift_right_arithmetic3A_159 = arith.constant 23 : i32
        %shift_right_arithmetic3A_160 = vector.broadcast %shift_right_arithmetic3A_159 : i32 to vector<16xi32>
        %shift_right_arithmetic3A_161 = arith.shrsi %bitcast3A_158, %shift_right_arithmetic3A_160 : vector<16xi32>
        %sub3A_162 = arith.constant 127 : i32
        %sub3A_163 = vector.broadcast %sub3A_162 : i32 to vector<16xi32>
        %sub3A_164 = arith.subi %shift_right_arithmetic3A_161, %sub3A_163 : vector<16xi32>
        %and3A_165 = arith.constant 8388607 : i32
        %and3A_166 = vector.broadcast %and3A_165 : i32 to vector<16xi32>
        %and3A_167 = arith.andi %bitcast3A_158, %and3A_166 : vector<16xi32>
        %or3A_168 = arith.constant 1065353216 : i32
        %or3A_169 = vector.broadcast %or3A_168 : i32 to vector<16xi32>
        %or3A_170 = arith.ori %and3A_167, %or3A_169 : vector<16xi32>
        %bitcast3A_171 = vector.bitcast %or3A_170 : vector<16xi32> to vector<16xf32>
        %gt3A_172 = arith.constant 1.41421354 : f32
        %gt3A_173 = vector.broadcast %gt3A_172 : f32 to vector<16xf32>
        %gt3A_174 = arith.cmpf ogt, %bitcast3A_171, %gt3A_173 : vector<16xf32>
        %mul3A_175 = arith.constant 5.000000e-01 : f32
        %mul3A_176 = vector.broadcast %mul3A_175 : f32 to vector<16xf32>
        %mul3A_177 = arith.mulf %bitcast3A_171, %mul3A_176 : vector<16xf32>
        %select_n3A_178 = arith.select %gt3A_174, %mul3A_177, %bitcast3A_171 : vector<16xi1>, vector<16xf32>
        %jit3A_179 = arith.constant 1 : i32
        %jit3A_180 = arith.constant 0 : i32
        %broadcast_in_dim3A_181 = vector.broadcast %jit3A_179 : i32 to vector<16xi32>
        %broadcast_in_dim3A_182 = vector.broadcast %jit3A_180 : i32 to vector<16xi32>
        %select_n3A_183 = arith.select %gt3A_174, %broadcast_in_dim3A_181, %broadcast_in_dim3A_182 : vector<16xi1>, vector<16xi32>
        %add3A_184 = arith.addi %sub3A_164, %select_n3A_183 : vector<16xi32>
        %sub3A_185 = arith.constant 1.000000e+00 : f32
        %sub3A_186 = vector.broadcast %sub3A_185 : f32 to vector<16xf32>
        %sub3A_187 = arith.subf %select_n3A_178, %sub3A_186 : vector<16xf32>
        %add3A_188 = arith.constant 1.000000e+00 : f32
        %add3A_189 = vector.broadcast %add3A_188 : f32 to vector<16xf32>
        %add3A_190 = arith.addf %select_n3A_178, %add3A_189 : vector<16xf32>
        %div3A_191 = arith.divf %sub3A_187, %add3A_190 : vector<16xf32>
        %mul3A_192 = arith.mulf %div3A_191, %div3A_191 : vector<16xf32>
        %mul3A_193 = arith.constant 2.000000e+00 : f32
        %mul3A_194 = vector.broadcast %mul3A_193 : f32 to vector<16xf32>
        %mul3A_195 = arith.mulf %mul3A_194, %div3A_191 : vector<16xf32>
        %mul3A_196 = arith.constant 0.142857149 : f32
        %mul3A_197 = vector.broadcast %mul3A_196 : f32 to vector<16xf32>
        %mul3A_198 = arith.mulf %mul3A_192, %mul3A_197 : vector<16xf32>
        %add3A_199 = arith.constant 2.000000e-01 : f32
        %add3A_200 = vector.broadcast %add3A_199 : f32 to vector<16xf32>
        %add3A_201 = arith.addf %add3A_200, %mul3A_198 : vector<16xf32>
        %mul3A_202 = arith.mulf %mul3A_192, %add3A_201 : vector<16xf32>
        %add3A_203 = arith.constant 0.333333343 : f32
        %add3A_204 = vector.broadcast %add3A_203 : f32 to vector<16xf32>
        %add3A_205 = arith.addf %add3A_204, %mul3A_202 : vector<16xf32>
        %mul3A_206 = arith.mulf %mul3A_192, %add3A_205 : vector<16xf32>
        %add3A_207 = arith.constant 1.000000e+00 : f32
        %add3A_208 = vector.broadcast %add3A_207 : f32 to vector<16xf32>
        %add3A_209 = arith.addf %add3A_208, %mul3A_206 : vector<16xf32>
        %mul3A_210 = arith.mulf %mul3A_195, %add3A_209 : vector<16xf32>
        %convert_element_type3A_211 = arith.sitofp %add3A_184 : vector<16xi32> to vector<16xf32>
        %mul3A_212 = arith.constant 0.693147182 : f32
        %mul3A_213 = vector.broadcast %mul3A_212 : f32 to vector<16xf32>
        %mul3A_214 = arith.mulf %convert_element_type3A_211, %mul3A_213 : vector<16xf32>
        %add3A_215 = arith.addf %mul3A_214, %mul3A_210 : vector<16xf32>
        %sub3A_216 = arith.subf %add3A_215, %gather3A_152 : vector<16xf32>
        %jit3A_217 = arith.constant 0.000000e+00 : f32
        %broadcast_in_dim3A_218 = vector.broadcast %jit3A_217 : f32 to vector<16xf32>
        %select_n3A_219 = arith.select %gt3A_155, %sub3A_216, %broadcast_in_dim3A_218 : vector<16xi1>, vector<16xf32>
        %add3A_220 = arith.addf %add3A_148, %select_n3A_219 : vector<16xf32>
        %add3A_221 = arith.constant 2 : i32
        %add3A_222 = vector.broadcast %add3A_221 : i32 to vector<16xi32>
        %add3A_223 = arith.addi %mul3A_8, %add3A_222 : vector<16xi32>
        %gather3A_224 = tpu.vector_load_idx %arg11[%add3A_223] : memref<2128xf32, #tpu.memory_space<vmem>>[vector<16xi32>], vector<16xf32>,
        %gt3A_225 = arith.constant 2 : i32
        %gt3A_226 = vector.broadcast %gt3A_225 : i32 to vector<16xi32>
        %gt3A_227 = arith.cmpi sgt, %parallel_loop3A_87#1, %gt3A_226 : vector<16xi32>
        %exp3A_228 = math.exp %gather3A_224 : vector<16xf32>
        %add3A_229 = arith.addf %parallel_loop3A_87#0, %exp3A_228 : vector<16xf32>
        %bitcast3A_230 = vector.bitcast %add3A_229 : vector<16xf32> to vector<16xi32>
        %shift_right_arithmetic3A_231 = arith.constant 23 : i32
        %shift_right_arithmetic3A_232 = vector.broadcast %shift_right_arithmetic3A_231 : i32 to vector<16xi32>
        %shift_right_arithmetic3A_233 = arith.shrsi %bitcast3A_230, %shift_right_arithmetic3A_232 : vector<16xi32>
        %sub3A_234 = arith.constant 127 : i32
        %sub3A_235 = vector.broadcast %sub3A_234 : i32 to vector<16xi32>
        %sub3A_236 = arith.subi %shift_right_arithmetic3A_233, %sub3A_235 : vector<16xi32>
        %and3A_237 = arith.constant 8388607 : i32
        %and3A_238 = vector.broadcast %and3A_237 : i32 to vector<16xi32>
        %and3A_239 = arith.andi %bitcast3A_230, %and3A_238 : vector<16xi32>
        %or3A_240 = arith.constant 1065353216 : i32
        %or3A_241 = vector.broadcast %or3A_240 : i32 to vector<16xi32>
        %or3A_242 = arith.ori %and3A_239, %or3A_241 : vector<16xi32>
        %bitcast3A_243 = vector.bitcast %or3A_242 : vector<16xi32> to vector<16xf32>
        %gt3A_244 = arith.constant 1.41421354 : f32
        %gt3A_245 = vector.broadcast %gt3A_244 : f32 to vector<16xf32>
        %gt3A_246 = arith.cmpf ogt, %bitcast3A_243, %gt3A_245 : vector<16xf32>
        %mul3A_247 = arith.constant 5.000000e-01 : f32
        %mul3A_248 = vector.broadcast %mul3A_247 : f32 to vector<16xf32>
        %mul3A_249 = arith.mulf %bitcast3A_243, %mul3A_248 : vector<16xf32>
        %select_n3A_250 = arith.select %gt3A_246, %mul3A_249, %bitcast3A_243 : vector<16xi1>, vector<16xf32>
        %jit3A_251 = arith.constant 1 : i32
        %jit3A_252 = arith.constant 0 : i32
        %broadcast_in_dim3A_253 = vector.broadcast %jit3A_251 : i32 to vector<16xi32>
        %broadcast_in_dim3A_254 = vector.broadcast %jit3A_252 : i32 to vector<16xi32>
        %select_n3A_255 = arith.select %gt3A_246, %broadcast_in_dim3A_253, %broadcast_in_dim3A_254 : vector<16xi1>, vector<16xi32>
        %add3A_256 = arith.addi %sub3A_236, %select_n3A_255 : vector<16xi32>
        %sub3A_257 = arith.constant 1.000000e+00 : f32
        %sub3A_258 = vector.broadcast %sub3A_257 : f32 to vector<16xf32>
        %sub3A_259 = arith.subf %select_n3A_250, %sub3A_258 : vector<16xf32>
        %add3A_260 = arith.constant 1.000000e+00 : f32
        %add3A_261 = vector.broadcast %add3A_260 : f32 to vector<16xf32>
        %add3A_262 = arith.addf %select_n3A_250, %add3A_261 : vector<16xf32>
        %div3A_263 = arith.divf %sub3A_259, %add3A_262 : vector<16xf32>
        %mul3A_264 = arith.mulf %div3A_263, %div3A_263 : vector<16xf32>
        %mul3A_265 = arith.constant 2.000000e+00 : f32
        %mul3A_266 = vector.broadcast %mul3A_265 : f32 to vector<16xf32>
        %mul3A_267 = arith.mulf %mul3A_266, %div3A_263 : vector<16xf32>
        %mul3A_268 = arith.constant 0.142857149 : f32
        %mul3A_269 = vector.broadcast %mul3A_268 : f32 to vector<16xf32>
        %mul3A_270 = arith.mulf %mul3A_264, %mul3A_269 : vector<16xf32>
        %add3A_271 = arith.constant 2.000000e-01 : f32
        %add3A_272 = vector.broadcast %add3A_271 : f32 to vector<16xf32>
        %add3A_273 = arith.addf %add3A_272, %mul3A_270 : vector<16xf32>
        %mul3A_274 = arith.mulf %mul3A_264, %add3A_273 : vector<16xf32>
        %add3A_275 = arith.constant 0.333333343 : f32
        %add3A_276 = vector.broadcast %add3A_275 : f32 to vector<16xf32>
        %add3A_277 = arith.addf %add3A_276, %mul3A_274 : vector<16xf32>
        %mul3A_278 = arith.mulf %mul3A_264, %add3A_277 : vector<16xf32>
        %add3A_279 = arith.constant 1.000000e+00 : f32
        %add3A_280 = vector.broadcast %add3A_279 : f32 to vector<16xf32>
        %add3A_281 = arith.addf %add3A_280, %mul3A_278 : vector<16xf32>
        %mul3A_282 = arith.mulf %mul3A_267, %add3A_281 : vector<16xf32>
        %convert_element_type3A_283 = arith.sitofp %add3A_256 : vector<16xi32> to vector<16xf32>
        %mul3A_284 = arith.constant 0.693147182 : f32
        %mul3A_285 = vector.broadcast %mul3A_284 : f32 to vector<16xf32>
        %mul3A_286 = arith.mulf %convert_element_type3A_283, %mul3A_285 : vector<16xf32>
        %add3A_287 = arith.addf %mul3A_286, %mul3A_282 : vector<16xf32>
        %sub3A_288 = arith.subf %add3A_287, %gather3A_224 : vector<16xf32>
        %jit3A_289 = arith.constant 0.000000e+00 : f32
        %broadcast_in_dim3A_290 = vector.broadcast %jit3A_289 : f32 to vector<16xf32>
        %select_n3A_291 = arith.select %gt3A_227, %sub3A_288, %broadcast_in_dim3A_290 : vector<16xi1>, vector<16xf32>
        %add3A_292 = arith.addf %add3A_220, %select_n3A_291 : vector<16xf32>
        %add3A_293 = arith.constant 3 : i32
        %add3A_294 = vector.broadcast %add3A_293 : i32 to vector<16xi32>
        %add3A_295 = arith.addi %mul3A_8, %add3A_294 : vector<16xi32>
        %gather3A_296 = tpu.vector_load_idx %arg11[%add3A_295] : memref<2128xf32, #tpu.memory_space<vmem>>[vector<16xi32>], vector<16xf32>,
        %gt3A_297 = arith.constant 3 : i32
        %gt3A_298 = vector.broadcast %gt3A_297 : i32 to vector<16xi32>
        %gt3A_299 = arith.cmpi sgt, %parallel_loop3A_87#1, %gt3A_298 : vector<16xi32>
        %exp3A_300 = math.exp %gather3A_296 : vector<16xf32>
        %add3A_301 = arith.addf %parallel_loop3A_87#0, %exp3A_300 : vector<16xf32>
        %bitcast3A_302 = vector.bitcast %add3A_301 : vector<16xf32> to vector<16xi32>
        %shift_right_arithmetic3A_303 = arith.constant 23 : i32
        %shift_right_arithmetic3A_304 = vector.broadcast %shift_right_arithmetic3A_303 : i32 to vector<16xi32>
        %shift_right_arithmetic3A_305 = arith.shrsi %bitcast3A_302, %shift_right_arithmetic3A_304 : vector<16xi32>
        %sub3A_306 = arith.constant 127 : i32
        %sub3A_307 = vector.broadcast %sub3A_306 : i32 to vector<16xi32>
        %sub3A_308 = arith.subi %shift_right_arithmetic3A_305, %sub3A_307 : vector<16xi32>
        %and3A_309 = arith.constant 8388607 : i32
        %and3A_310 = vector.broadcast %and3A_309 : i32 to vector<16xi32>
        %and3A_311 = arith.andi %bitcast3A_302, %and3A_310 : vector<16xi32>
        %or3A_312 = arith.constant 1065353216 : i32
        %or3A_313 = vector.broadcast %or3A_312 : i32 to vector<16xi32>
        %or3A_314 = arith.ori %and3A_311, %or3A_313 : vector<16xi32>
        %bitcast3A_315 = vector.bitcast %or3A_314 : vector<16xi32> to vector<16xf32>
        %gt3A_316 = arith.constant 1.41421354 : f32
        %gt3A_317 = vector.broadcast %gt3A_316 : f32 to vector<16xf32>
        %gt3A_318 = arith.cmpf ogt, %bitcast3A_315, %gt3A_317 : vector<16xf32>
        %mul3A_319 = arith.constant 5.000000e-01 : f32
        %mul3A_320 = vector.broadcast %mul3A_319 : f32 to vector<16xf32>
        %mul3A_321 = arith.mulf %bitcast3A_315, %mul3A_320 : vector<16xf32>
        %select_n3A_322 = arith.select %gt3A_318, %mul3A_321, %bitcast3A_315 : vector<16xi1>, vector<16xf32>
        %jit3A_323 = arith.constant 1 : i32
        %jit3A_324 = arith.constant 0 : i32
        %broadcast_in_dim3A_325 = vector.broadcast %jit3A_323 : i32 to vector<16xi32>
        %broadcast_in_dim3A_326 = vector.broadcast %jit3A_324 : i32 to vector<16xi32>
        %select_n3A_327 = arith.select %gt3A_318, %broadcast_in_dim3A_325, %broadcast_in_dim3A_326 : vector<16xi1>, vector<16xi32>
        %add3A_328 = arith.addi %sub3A_308, %select_n3A_327 : vector<16xi32>
        %sub3A_329 = arith.constant 1.000000e+00 : f32
        %sub3A_330 = vector.broadcast %sub3A_329 : f32 to vector<16xf32>
        %sub3A_331 = arith.subf %select_n3A_322, %sub3A_330 : vector<16xf32>
        %add3A_332 = arith.constant 1.000000e+00 : f32
        %add3A_333 = vector.broadcast %add3A_332 : f32 to vector<16xf32>
        %add3A_334 = arith.addf %select_n3A_322, %add3A_333 : vector<16xf32>
        %div3A_335 = arith.divf %sub3A_331, %add3A_334 : vector<16xf32>
        %mul3A_336 = arith.mulf %div3A_335, %div3A_335 : vector<16xf32>
        %mul3A_337 = arith.constant 2.000000e+00 : f32
        %mul3A_338 = vector.broadcast %mul3A_337 : f32 to vector<16xf32>
        %mul3A_339 = arith.mulf %mul3A_338, %div3A_335 : vector<16xf32>
        %mul3A_340 = arith.constant 0.142857149 : f32
        %mul3A_341 = vector.broadcast %mul3A_340 : f32 to vector<16xf32>
        %mul3A_342 = arith.mulf %mul3A_336, %mul3A_341 : vector<16xf32>
        %add3A_343 = arith.constant 2.000000e-01 : f32
        %add3A_344 = vector.broadcast %add3A_343 : f32 to vector<16xf32>
        %add3A_345 = arith.addf %add3A_344, %mul3A_342 : vector<16xf32>
        %mul3A_346 = arith.mulf %mul3A_336, %add3A_345 : vector<16xf32>
        %add3A_347 = arith.constant 0.333333343 : f32
        %add3A_348 = vector.broadcast %add3A_347 : f32 to vector<16xf32>
        %add3A_349 = arith.addf %add3A_348, %mul3A_346 : vector<16xf32>
        %mul3A_350 = arith.mulf %mul3A_336, %add3A_349 : vector<16xf32>
        %add3A_351 = arith.constant 1.000000e+00 : f32
        %add3A_352 = vector.broadcast %add3A_351 : f32 to vector<16xf32>
        %add3A_353 = arith.addf %add3A_352, %mul3A_350 : vector<16xf32>
        %mul3A_354 = arith.mulf %mul3A_339, %add3A_353 : vector<16xf32>
        %convert_element_type3A_355 = arith.sitofp %add3A_328 : vector<16xi32> to vector<16xf32>
        %mul3A_356 = arith.constant 0.693147182 : f32
        %mul3A_357 = vector.broadcast %mul3A_356 : f32 to vector<16xf32>
        %mul3A_358 = arith.mulf %convert_element_type3A_355, %mul3A_357 : vector<16xf32>
        %add3A_359 = arith.addf %mul3A_358, %mul3A_354 : vector<16xf32>
        %sub3A_360 = arith.subf %add3A_359, %gather3A_296 : vector<16xf32>
        %jit3A_361 = arith.constant 0.000000e+00 : f32
        %broadcast_in_dim3A_362 = vector.broadcast %jit3A_361 : f32 to vector<16xf32>
        %select_n3A_363 = arith.select %gt3A_299, %sub3A_360, %broadcast_in_dim3A_362 : vector<16xi1>, vector<16xf32>
        %add3A_364 = arith.addf %add3A_292, %select_n3A_363 : vector<16xf32>
        %add3A_365 = arith.constant 4 : i32
        %add3A_366 = vector.broadcast %add3A_365 : i32 to vector<16xi32>
        %add3A_367 = arith.addi %mul3A_8, %add3A_366 : vector<16xi32>
        %gather3A_368 = tpu.vector_load_idx %arg11[%add3A_367] : memref<2128xf32, #tpu.memory_space<vmem>>[vector<16xi32>], vector<16xf32>,
        %gt3A_369 = arith.constant 4 : i32
        %gt3A_370 = vector.broadcast %gt3A_369 : i32 to vector<16xi32>
        %gt3A_371 = arith.cmpi sgt, %parallel_loop3A_87#1, %gt3A_370 : vector<16xi32>
        %exp3A_372 = math.exp %gather3A_368 : vector<16xf32>
        %add3A_373 = arith.addf %parallel_loop3A_87#0, %exp3A_372 : vector<16xf32>
        %bitcast3A_374 = vector.bitcast %add3A_373 : vector<16xf32> to vector<16xi32>
        %shift_right_arithmetic3A_375 = arith.constant 23 : i32
        %shift_right_arithmetic3A_376 = vector.broadcast %shift_right_arithmetic3A_375 : i32 to vector<16xi32>
        %shift_right_arithmetic3A_377 = arith.shrsi %bitcast3A_374, %shift_right_arithmetic3A_376 : vector<16xi32>
        %sub3A_378 = arith.constant 127 : i32
        %sub3A_379 = vector.broadcast %sub3A_378 : i32 to vector<16xi32>
        %sub3A_380 = arith.subi %shift_right_arithmetic3A_377, %sub3A_379 : vector<16xi32>
        %and3A_381 = arith.constant 8388607 : i32
        %and3A_382 = vector.broadcast %and3A_381 : i32 to vector<16xi32>
        %and3A_383 = arith.andi %bitcast3A_374, %and3A_382 : vector<16xi32>
        %or3A_384 = arith.constant 1065353216 : i32
        %or3A_385 = vector.broadcast %or3A_384 : i32 to vector<16xi32>
        %or3A_386 = arith.ori %and3A_383, %or3A_385 : vector<16xi32>
        %bitcast3A_387 = vector.bitcast %or3A_386 : vector<16xi32> to vector<16xf32>
        %gt3A_388 = arith.constant 1.41421354 : f32
        %gt3A_389 = vector.broadcast %gt3A_388 : f32 to vector<16xf32>
        %gt3A_390 = arith.cmpf ogt, %bitcast3A_387, %gt3A_389 : vector<16xf32>
        %mul3A_391 = arith.constant 5.000000e-01 : f32
        %mul3A_392 = vector.broadcast %mul3A_391 : f32 to vector<16xf32>
        %mul3A_393 = arith.mulf %bitcast3A_387, %mul3A_392 : vector<16xf32>
        %select_n3A_394 = arith.select %gt3A_390, %mul3A_393, %bitcast3A_387 : vector<16xi1>, vector<16xf32>
        %jit3A_395 = arith.constant 1 : i32
        %jit3A_396 = arith.constant 0 : i32
        %broadcast_in_dim3A_397 = vector.broadcast %jit3A_395 : i32 to vector<16xi32>
        %broadcast_in_dim3A_398 = vector.broadcast %jit3A_396 : i32 to vector<16xi32>
        %select_n3A_399 = arith.select %gt3A_390, %broadcast_in_dim3A_397, %broadcast_in_dim3A_398 : vector<16xi1>, vector<16xi32>
        %add3A_400 = arith.addi %sub3A_380, %select_n3A_399 : vector<16xi32>
        %sub3A_401 = arith.constant 1.000000e+00 : f32
        %sub3A_402 = vector.broadcast %sub3A_401 : f32 to vector<16xf32>
        %sub3A_403 = arith.subf %select_n3A_394, %sub3A_402 : vector<16xf32>
        %add3A_404 = arith.constant 1.000000e+00 : f32
        %add3A_405 = vector.broadcast %add3A_404 : f32 to vector<16xf32>
        %add3A_406 = arith.addf %select_n3A_394, %add3A_405 : vector<16xf32>
        %div3A_407 = arith.divf %sub3A_403, %add3A_406 : vector<16xf32>
        %mul3A_408 = arith.mulf %div3A_407, %div3A_407 : vector<16xf32>
        %mul3A_409 = arith.constant 2.000000e+00 : f32
        %mul3A_410 = vector.broadcast %mul3A_409 : f32 to vector<16xf32>
        %mul3A_411 = arith.mulf %mul3A_410, %div3A_407 : vector<16xf32>
        %mul3A_412 = arith.constant 0.142857149 : f32
        %mul3A_413 = vector.broadcast %mul3A_412 : f32 to vector<16xf32>
        %mul3A_414 = arith.mulf %mul3A_408, %mul3A_413 : vector<16xf32>
        %add3A_415 = arith.constant 2.000000e-01 : f32
        %add3A_416 = vector.broadcast %add3A_415 : f32 to vector<16xf32>
        %add3A_417 = arith.addf %add3A_416, %mul3A_414 : vector<16xf32>
        %mul3A_418 = arith.mulf %mul3A_408, %add3A_417 : vector<16xf32>
        %add3A_419 = arith.constant 0.333333343 : f32
        %add3A_420 = vector.broadcast %add3A_419 : f32 to vector<16xf32>
        %add3A_421 = arith.addf %add3A_420, %mul3A_418 : vector<16xf32>
        %mul3A_422 = arith.mulf %mul3A_408, %add3A_421 : vector<16xf32>
        %add3A_423 = arith.constant 1.000000e+00 : f32
        %add3A_424 = vector.broadcast %add3A_423 : f32 to vector<16xf32>
        %add3A_425 = arith.addf %add3A_424, %mul3A_422 : vector<16xf32>
        %mul3A_426 = arith.mulf %mul3A_411, %add3A_425 : vector<16xf32>
        %convert_element_type3A_427 = arith.sitofp %add3A_400 : vector<16xi32> to vector<16xf32>
        %mul3A_428 = arith.constant 0.693147182 : f32
        %mul3A_429 = vector.broadcast %mul3A_428 : f32 to vector<16xf32>
        %mul3A_430 = arith.mulf %convert_element_type3A_427, %mul3A_429 : vector<16xf32>
        %add3A_431 = arith.addf %mul3A_430, %mul3A_426 : vector<16xf32>
        %sub3A_432 = arith.subf %add3A_431, %gather3A_368 : vector<16xf32>
        %jit3A_433 = arith.constant 0.000000e+00 : f32
        %broadcast_in_dim3A_434 = vector.broadcast %jit3A_433 : f32 to vector<16xf32>
        %select_n3A_435 = arith.select %gt3A_371, %sub3A_432, %broadcast_in_dim3A_434 : vector<16xi1>, vector<16xf32>
        %add3A_436 = arith.addf %add3A_364, %select_n3A_435 : vector<16xf32>
        %add3A_437 = arith.addi %scan3A_76, %parallel_loop3A_87#1 : vector<16xi32>
        scf.yield %add3A_436, %add3A_437 : vector<16xf32>, vector<16xi32>
      }
      %scan3A_49 = arith.constant 8 : i32
      %lt3A = arith.constant 2 : i32
      %lt3A_50 = arith.cmpi slt, %scan3A_32, %lt3A : i32
      %convert_element_type3A = arith.extui %lt3A_50 : i1 to i32
      %cond3A = arith.constant 0 : i32
      %cond3A_51 = arith.cmpi ne, %convert_element_type3A, %cond3A : i32
      scf.if %cond3A_51 {
        %mul3A_74 = arith.constant 2 : i32
        %mul3A_75 = arith.muli %mul3A_74, %scan3A_32 : i32
        %add3A_76 = arith.constant 2 : i32
        %add3A_77 = arith.addi %mul3A_75, %add3A_76 : i32
        %mul3A_78 = arith.constant 16384 : i32
        %mul3A_79 = arith.muli %add3A_77, %mul3A_78 : i32
        %add3A_80 = arith.addi %mul3A_2, %mul3A_79 : i32
        %dma_start3A_81 = tpu.memref_slice %arg2[%add3A_80] : memref<3145728xf32, #tpu.memory_space<hbm>> -> memref<16384xf32, #tpu.memory_space<hbm>>
        %dma_start3A_82 = tpu.memref_slice %arg2[%add3A_80] : memref<3145728xf32, #tpu.memory_space<hbm>> -> memref<16384xf32, #tpu.memory_space<hbm>>
        tpu.enqueue_dma source(%dma_start3A_82 : memref<16384xf32, #tpu.memory_space<hbm>>) target(%arg6 : memref<16384xf32, #tpu.memory_space<vmem>>) target_semaphore(%arg14 : memref<!tpu.dma_semaphore, #tpu.memory_space<semaphore_mem>>)
        %dma_start3A_83 = tpu.memref_slice %arg3[%add3A_80] : memref<3145728xi32, #tpu.memory_space<hbm>> -> memref<16384xi32, #tpu.memory_space<hbm>>
        %dma_start3A_84 = tpu.memref_slice %arg3[%add3A_80] : memref<3145728xi32, #tpu.memory_space<hbm>> -> memref<16384xi32, #tpu.memory_space<hbm>>
        tpu.enqueue_dma source(%dma_start3A_84 : memref<16384xi32, #tpu.memory_space<hbm>>) target(%arg8 : memref<16384xi32, #tpu.memory_space<vmem>>) target_semaphore(%arg16 : memref<!tpu.dma_semaphore, #tpu.memory_space<semaphore_mem>>)
      } else {
      }
      %dma_wait3A_52 = arith.constant 0 : i32
      %dma_wait3A_53 = tpu.memref_slice %arg2[%dma_wait3A_52] : memref<3145728xf32, #tpu.memory_space<hbm>> -> memref<16384xf32, #tpu.memory_space<hbm>>
      %dma_wait3A_54 = arith.constant 0 : i32
      %dma_wait3A_55 = tpu.memref_slice %arg2[%dma_wait3A_54] : memref<3145728xf32, #tpu.memory_space<hbm>> -> memref<16384xf32, #tpu.memory_space<hbm>>
      tpu.wait_dma2 semaphore(%arg15 : memref<!tpu.dma_semaphore, #tpu.memory_space<semaphore_mem>>) src(%dma_wait3A_55 : memref<16384xf32, #tpu.memory_space<hbm>>) dst(%arg7 : memref<16384xf32, #tpu.memory_space<vmem>>)
      %dma_wait3A_56 = arith.constant 0 : i32
      %dma_wait3A_57 = tpu.memref_slice %arg3[%dma_wait3A_56] : memref<3145728xi32, #tpu.memory_space<hbm>> -> memref<16384xi32, #tpu.memory_space<hbm>>
      %dma_wait3A_58 = arith.constant 0 : i32
      %dma_wait3A_59 = tpu.memref_slice %arg3[%dma_wait3A_58] : memref<3145728xi32, #tpu.memory_space<hbm>> -> memref<16384xi32, #tpu.memory_space<hbm>>
      tpu.wait_dma2 semaphore(%arg17 : memref<!tpu.dma_semaphore, #tpu.memory_space<semaphore_mem>>) src(%dma_wait3A_59 : memref<16384xi32, #tpu.memory_space<hbm>>) dst(%arg9 : memref<16384xi32, #tpu.memory_space<vmem>>)
      %parallel_loop3A_60 = arith.constant 0 : i32
      %parallel_loop3A_61 = arith.constant 1024 : i32
      %parallel_loop3A_62 = arith.constant 1 : i32
      scf.for %parallel_loop3A_74 = %parallel_loop3A_60 to %parallel_loop3A_61 step %parallel_loop3A_62  : i32 {
        %parallel_loop3A_75 = arith.constant 16 : i32
        %parallel_loop3A_76 = arith.muli %parallel_loop3A_74, %parallel_loop3A_75 : i32
        %parallel_loop3A_77 = arith.index_cast %parallel_loop3A_76 : i32 to index
        %parallel_loop3A_78 = tpu.vector_load %arg7[%parallel_loop3A_77] {strides = array<i32>} : memref<16384xf32, #tpu.memory_space<vmem>>, vector<16xf32>,
        %parallel_loop3A_79 = arith.constant 16 : i32
        %parallel_loop3A_80 = arith.muli %parallel_loop3A_74, %parallel_loop3A_79 : i32
        %parallel_loop3A_81 = arith.index_cast %parallel_loop3A_80 : i32 to index
        %parallel_loop3A_82 = tpu.vector_load %arg9[%parallel_loop3A_81] {strides = array<i32>} : memref<16384xi32, #tpu.memory_space<vmem>>, vector<16xi32>,
        %parallel_loop3A_83 = vector.bitcast %parallel_loop3A_78 : vector<16xf32> to vector<16xi32>
        %parallel_loop3A_84 = arith.constant -2 : i32
        %parallel_loop3A_85 = vector.broadcast %parallel_loop3A_84 : i32 to vector<16xi32>
        %parallel_loop3A_86 = arith.andi %parallel_loop3A_83, %parallel_loop3A_85 : vector<16xi32>
        %parallel_loop3A_87 = arith.ori %parallel_loop3A_86, %parallel_loop3A_82 : vector<16xi32>
        %parallel_loop3A_88 = arith.constant 16 : i32
        %parallel_loop3A_89 = arith.muli %parallel_loop3A_74, %parallel_loop3A_88 : i32
        %parallel_loop3A_90 = arith.index_cast %parallel_loop3A_89 : i32 to index
        %parallel_loop3A_91 = tpu.vector_load %arg10[%parallel_loop3A_90] {strides = array<i32>} : memref<16384xi32, #tpu.memory_space<vmem>>, vector<16xi32>,
        tpu.vector_store %arg10[%parallel_loop3A_90], %parallel_loop3A_87 {strides = array<i32>} : memref<16384xi32, #tpu.memory_space<vmem>>, vector<16xi32>,
      } {sc.loop_unroll_factor = 4 : i64, sc.parallel_access}
      %scan3A_63 = arith.constant 0 : i32
      %scan3A_64 = arith.constant 8 : i32
      %scan3A_65 = arith.addi %scan3A_63, %scan3A_64 : i32
      %scan3A_66 = arith.constant 1 : i32
      %scan3A_67:2 = scf.for %scan3A_74 = %scan3A_63 to %scan3A_65 step %scan3A_66 iter_args(%scan3A_75 = %scan3A_48#0, %scan3A_76 = %scan3A_48#1) -> (vector<16xf32>, vector<16xi32>)  : i32 {
        %mul3A_77 = arith.constant 16 : i32
        %mul3A_78 = arith.muli %scan3A_74, %mul3A_77 : i32
        %add3A_79 = vector.broadcast %mul3A_78 : i32 to vector<16xi32>
        %add3A_80 = arith.addi %add3A_79, %iota3A : vector<16xi32>
        %mul3A_81 = arith.constant 128 : i32
        %mul3A_82 = vector.broadcast %mul3A_81 : i32 to vector<16xi32>
        %mul3A_83 = arith.muli %add3A_80, %mul3A_82 : vector<16xi32>
        %parallel_loop3A_84 = arith.constant 0 : i32
        %parallel_loop3A_85 = arith.constant 128 : i32
        %parallel_loop3A_86 = arith.constant 1 : i32
        %parallel_loop3A_87:2 = scf.for %parallel_loop3A_438 = %parallel_loop3A_84 to %parallel_loop3A_85 step %parallel_loop3A_86 iter_args(%parallel_loop3A_439 = %broadcast_in_dim3A_3, %parallel_loop3A_440 = %broadcast_in_dim3A_5) -> (vector<16xf32>, vector<16xi32>)  : i32 {
          %parallel_loop3A_441 = vector.broadcast %parallel_loop3A_438 : i32 to vector<16xi32>
          %parallel_loop3A_442 = arith.addi %mul3A_83, %parallel_loop3A_441 : vector<16xi32>
          %parallel_loop3A_443 = tpu.vector_load_idx %arg10[%parallel_loop3A_442] : memref<16384xi32, #tpu.memory_space<vmem>>[vector<16xi32>], vector<16xi32>,
          %parallel_loop3A_444 = arith.constant 1 : i32
          %parallel_loop3A_445 = vector.broadcast %parallel_loop3A_444 : i32 to vector<16xi32>
          %parallel_loop3A_446 = arith.andi %parallel_loop3A_443, %parallel_loop3A_445 : vector<16xi32>
          %parallel_loop3A_447 = arith.constant 0 : i32
          %parallel_loop3A_448 = vector.broadcast %parallel_loop3A_447 : i32 to vector<16xi32>
          %parallel_loop3A_449 = arith.cmpi ne, %parallel_loop3A_446, %parallel_loop3A_448 : vector<16xi32>
          %parallel_loop3A_450 = arith.constant -2 : i32
          %parallel_loop3A_451 = vector.broadcast %parallel_loop3A_450 : i32 to vector<16xi32>
          %parallel_loop3A_452 = arith.andi %parallel_loop3A_443, %parallel_loop3A_451 : vector<16xi32>
          %parallel_loop3A_453 = vector.bitcast %parallel_loop3A_452 : vector<16xi32> to vector<16xf32>
          %parallel_loop3A_454 = math.exp %parallel_loop3A_453 : vector<16xf32>
          %parallel_loop3A_455 = arith.constant 0.000000e+00 : f32
          %parallel_loop3A_456 = vector.broadcast %parallel_loop3A_455 : f32 to vector<16xf32>
          %parallel_loop3A_457 = arith.select %parallel_loop3A_449, %parallel_loop3A_456, %parallel_loop3A_454 : vector<16xi1>, vector<16xf32>
          %parallel_loop3A_458 = arith.addf %parallel_loop3A_439, %parallel_loop3A_457 : vector<16xf32>
          %parallel_loop3A_459 = arith.constant 5 : i32
          %parallel_loop3A_460 = vector.broadcast %parallel_loop3A_459 : i32 to vector<16xi32>
          %parallel_loop3A_461 = arith.cmpi slt, %parallel_loop3A_440, %parallel_loop3A_460 : vector<16xi32>
          %parallel_loop3A_462 = arith.andi %parallel_loop3A_449, %parallel_loop3A_461 : vector<16xi1>
          %parallel_loop3A_463 = arith.addi %parallel_loop3A_440, %mul3A_8 : vector<16xi32>
          tpu.vector_store_idx %arg11[%parallel_loop3A_463], %parallel_loop3A_453 masked %parallel_loop3A_462 : memref<2128xf32, #tpu.memory_space<vmem>>[vector<16xi32>], vector<16xf32>, vector<16xi1>
          %parallel_loop3A_464 = arith.addi %parallel_loop3A_440, %parallel_loop3A_446 : vector<16xi32>
          scf.yield %parallel_loop3A_458, %parallel_loop3A_464 : vector<16xf32>, vector<16xi32>
        } {sc.loop_unroll_factor = 4 : i64, sc.parallel_access}
        %add3A_88 = arith.constant 0 : i32
        %add3A_89 = vector.broadcast %add3A_88 : i32 to vector<16xi32>
        %add3A_90 = arith.addi %mul3A_8, %add3A_89 : vector<16xi32>
        %gather3A = tpu.vector_load_idx %arg11[%add3A_90] : memref<2128xf32, #tpu.memory_space<vmem>>[vector<16xi32>], vector<16xf32>,
        %gt3A = arith.constant 0 : i32
        %gt3A_91 = vector.broadcast %gt3A : i32 to vector<16xi32>
        %gt3A_92 = arith.cmpi sgt, %parallel_loop3A_87#1, %gt3A_91 : vector<16xi32>
        %exp3A = math.exp %gather3A : vector<16xf32>
        %add3A_93 = arith.addf %parallel_loop3A_87#0, %exp3A : vector<16xf32>
        %bitcast3A = vector.bitcast %add3A_93 : vector<16xf32> to vector<16xi32>
        %shift_right_arithmetic3A = arith.constant 23 : i32
        %shift_right_arithmetic3A_94 = vector.broadcast %shift_right_arithmetic3A : i32 to vector<16xi32>
        %shift_right_arithmetic3A_95 = arith.shrsi %bitcast3A, %shift_right_arithmetic3A_94 : vector<16xi32>
        %sub3A = arith.constant 127 : i32
        %sub3A_96 = vector.broadcast %sub3A : i32 to vector<16xi32>
        %sub3A_97 = arith.subi %shift_right_arithmetic3A_95, %sub3A_96 : vector<16xi32>
        %and3A = arith.constant 8388607 : i32
        %and3A_98 = vector.broadcast %and3A : i32 to vector<16xi32>
        %and3A_99 = arith.andi %bitcast3A, %and3A_98 : vector<16xi32>
        %or3A = arith.constant 1065353216 : i32
        %or3A_100 = vector.broadcast %or3A : i32 to vector<16xi32>
        %or3A_101 = arith.ori %and3A_99, %or3A_100 : vector<16xi32>
        %bitcast3A_102 = vector.bitcast %or3A_101 : vector<16xi32> to vector<16xf32>
        %gt3A_103 = arith.constant 1.41421354 : f32
        %gt3A_104 = vector.broadcast %gt3A_103 : f32 to vector<16xf32>
        %gt3A_105 = arith.cmpf ogt, %bitcast3A_102, %gt3A_104 : vector<16xf32>
        %mul3A_106 = arith.constant 5.000000e-01 : f32
        %mul3A_107 = vector.broadcast %mul3A_106 : f32 to vector<16xf32>
        %mul3A_108 = arith.mulf %bitcast3A_102, %mul3A_107 : vector<16xf32>
        %select_n3A = arith.select %gt3A_105, %mul3A_108, %bitcast3A_102 : vector<16xi1>, vector<16xf32>
        %jit3A = arith.constant 1 : i32
        %jit3A_109 = arith.constant 0 : i32
        %broadcast_in_dim3A_110 = vector.broadcast %jit3A : i32 to vector<16xi32>
        %broadcast_in_dim3A_111 = vector.broadcast %jit3A_109 : i32 to vector<16xi32>
        %select_n3A_112 = arith.select %gt3A_105, %broadcast_in_dim3A_110, %broadcast_in_dim3A_111 : vector<16xi1>, vector<16xi32>
        %add3A_113 = arith.addi %sub3A_97, %select_n3A_112 : vector<16xi32>
        %sub3A_114 = arith.constant 1.000000e+00 : f32
        %sub3A_115 = vector.broadcast %sub3A_114 : f32 to vector<16xf32>
        %sub3A_116 = arith.subf %select_n3A, %sub3A_115 : vector<16xf32>
        %add3A_117 = arith.constant 1.000000e+00 : f32
        %add3A_118 = vector.broadcast %add3A_117 : f32 to vector<16xf32>
        %add3A_119 = arith.addf %select_n3A, %add3A_118 : vector<16xf32>
        %div3A = arith.divf %sub3A_116, %add3A_119 : vector<16xf32>
        %mul3A_120 = arith.mulf %div3A, %div3A : vector<16xf32>
        %mul3A_121 = arith.constant 2.000000e+00 : f32
        %mul3A_122 = vector.broadcast %mul3A_121 : f32 to vector<16xf32>
        %mul3A_123 = arith.mulf %mul3A_122, %div3A : vector<16xf32>
        %mul3A_124 = arith.constant 0.142857149 : f32
        %mul3A_125 = vector.broadcast %mul3A_124 : f32 to vector<16xf32>
        %mul3A_126 = arith.mulf %mul3A_120, %mul3A_125 : vector<16xf32>
        %add3A_127 = arith.constant 2.000000e-01 : f32
        %add3A_128 = vector.broadcast %add3A_127 : f32 to vector<16xf32>
        %add3A_129 = arith.addf %add3A_128, %mul3A_126 : vector<16xf32>
        %mul3A_130 = arith.mulf %mul3A_120, %add3A_129 : vector<16xf32>
        %add3A_131 = arith.constant 0.333333343 : f32
        %add3A_132 = vector.broadcast %add3A_131 : f32 to vector<16xf32>
        %add3A_133 = arith.addf %add3A_132, %mul3A_130 : vector<16xf32>
        %mul3A_134 = arith.mulf %mul3A_120, %add3A_133 : vector<16xf32>
        %add3A_135 = arith.constant 1.000000e+00 : f32
        %add3A_136 = vector.broadcast %add3A_135 : f32 to vector<16xf32>
        %add3A_137 = arith.addf %add3A_136, %mul3A_134 : vector<16xf32>
        %mul3A_138 = arith.mulf %mul3A_123, %add3A_137 : vector<16xf32>
        %convert_element_type3A_139 = arith.sitofp %add3A_113 : vector<16xi32> to vector<16xf32>
        %mul3A_140 = arith.constant 0.693147182 : f32
        %mul3A_141 = vector.broadcast %mul3A_140 : f32 to vector<16xf32>
        %mul3A_142 = arith.mulf %convert_element_type3A_139, %mul3A_141 : vector<16xf32>
        %add3A_143 = arith.addf %mul3A_142, %mul3A_138 : vector<16xf32>
        %sub3A_144 = arith.subf %add3A_143, %gather3A : vector<16xf32>
        %jit3A_145 = arith.constant 0.000000e+00 : f32
        %broadcast_in_dim3A_146 = vector.broadcast %jit3A_145 : f32 to vector<16xf32>
        %select_n3A_147 = arith.select %gt3A_92, %sub3A_144, %broadcast_in_dim3A_146 : vector<16xi1>, vector<16xf32>
        %add3A_148 = arith.addf %scan3A_75, %select_n3A_147 : vector<16xf32>
        %add3A_149 = arith.constant 1 : i32
        %add3A_150 = vector.broadcast %add3A_149 : i32 to vector<16xi32>
        %add3A_151 = arith.addi %mul3A_8, %add3A_150 : vector<16xi32>
        %gather3A_152 = tpu.vector_load_idx %arg11[%add3A_151] : memref<2128xf32, #tpu.memory_space<vmem>>[vector<16xi32>], vector<16xf32>,
        %gt3A_153 = arith.constant 1 : i32
        %gt3A_154 = vector.broadcast %gt3A_153 : i32 to vector<16xi32>
        %gt3A_155 = arith.cmpi sgt, %parallel_loop3A_87#1, %gt3A_154 : vector<16xi32>
        %exp3A_156 = math.exp %gather3A_152 : vector<16xf32>
        %add3A_157 = arith.addf %parallel_loop3A_87#0, %exp3A_156 : vector<16xf32>
        %bitcast3A_158 = vector.bitcast %add3A_157 : vector<16xf32> to vector<16xi32>
        %shift_right_arithmetic3A_159 = arith.constant 23 : i32
        %shift_right_arithmetic3A_160 = vector.broadcast %shift_right_arithmetic3A_159 : i32 to vector<16xi32>
        %shift_right_arithmetic3A_161 = arith.shrsi %bitcast3A_158, %shift_right_arithmetic3A_160 : vector<16xi32>
        %sub3A_162 = arith.constant 127 : i32
        %sub3A_163 = vector.broadcast %sub3A_162 : i32 to vector<16xi32>
        %sub3A_164 = arith.subi %shift_right_arithmetic3A_161, %sub3A_163 : vector<16xi32>
        %and3A_165 = arith.constant 8388607 : i32
        %and3A_166 = vector.broadcast %and3A_165 : i32 to vector<16xi32>
        %and3A_167 = arith.andi %bitcast3A_158, %and3A_166 : vector<16xi32>
        %or3A_168 = arith.constant 1065353216 : i32
        %or3A_169 = vector.broadcast %or3A_168 : i32 to vector<16xi32>
        %or3A_170 = arith.ori %and3A_167, %or3A_169 : vector<16xi32>
        %bitcast3A_171 = vector.bitcast %or3A_170 : vector<16xi32> to vector<16xf32>
        %gt3A_172 = arith.constant 1.41421354 : f32
        %gt3A_173 = vector.broadcast %gt3A_172 : f32 to vector<16xf32>
        %gt3A_174 = arith.cmpf ogt, %bitcast3A_171, %gt3A_173 : vector<16xf32>
        %mul3A_175 = arith.constant 5.000000e-01 : f32
        %mul3A_176 = vector.broadcast %mul3A_175 : f32 to vector<16xf32>
        %mul3A_177 = arith.mulf %bitcast3A_171, %mul3A_176 : vector<16xf32>
        %select_n3A_178 = arith.select %gt3A_174, %mul3A_177, %bitcast3A_171 : vector<16xi1>, vector<16xf32>
        %jit3A_179 = arith.constant 1 : i32
        %jit3A_180 = arith.constant 0 : i32
        %broadcast_in_dim3A_181 = vector.broadcast %jit3A_179 : i32 to vector<16xi32>
        %broadcast_in_dim3A_182 = vector.broadcast %jit3A_180 : i32 to vector<16xi32>
        %select_n3A_183 = arith.select %gt3A_174, %broadcast_in_dim3A_181, %broadcast_in_dim3A_182 : vector<16xi1>, vector<16xi32>
        %add3A_184 = arith.addi %sub3A_164, %select_n3A_183 : vector<16xi32>
        %sub3A_185 = arith.constant 1.000000e+00 : f32
        %sub3A_186 = vector.broadcast %sub3A_185 : f32 to vector<16xf32>
        %sub3A_187 = arith.subf %select_n3A_178, %sub3A_186 : vector<16xf32>
        %add3A_188 = arith.constant 1.000000e+00 : f32
        %add3A_189 = vector.broadcast %add3A_188 : f32 to vector<16xf32>
        %add3A_190 = arith.addf %select_n3A_178, %add3A_189 : vector<16xf32>
        %div3A_191 = arith.divf %sub3A_187, %add3A_190 : vector<16xf32>
        %mul3A_192 = arith.mulf %div3A_191, %div3A_191 : vector<16xf32>
        %mul3A_193 = arith.constant 2.000000e+00 : f32
        %mul3A_194 = vector.broadcast %mul3A_193 : f32 to vector<16xf32>
        %mul3A_195 = arith.mulf %mul3A_194, %div3A_191 : vector<16xf32>
        %mul3A_196 = arith.constant 0.142857149 : f32
        %mul3A_197 = vector.broadcast %mul3A_196 : f32 to vector<16xf32>
        %mul3A_198 = arith.mulf %mul3A_192, %mul3A_197 : vector<16xf32>
        %add3A_199 = arith.constant 2.000000e-01 : f32
        %add3A_200 = vector.broadcast %add3A_199 : f32 to vector<16xf32>
        %add3A_201 = arith.addf %add3A_200, %mul3A_198 : vector<16xf32>
        %mul3A_202 = arith.mulf %mul3A_192, %add3A_201 : vector<16xf32>
        %add3A_203 = arith.constant 0.333333343 : f32
        %add3A_204 = vector.broadcast %add3A_203 : f32 to vector<16xf32>
        %add3A_205 = arith.addf %add3A_204, %mul3A_202 : vector<16xf32>
        %mul3A_206 = arith.mulf %mul3A_192, %add3A_205 : vector<16xf32>
        %add3A_207 = arith.constant 1.000000e+00 : f32
        %add3A_208 = vector.broadcast %add3A_207 : f32 to vector<16xf32>
        %add3A_209 = arith.addf %add3A_208, %mul3A_206 : vector<16xf32>
        %mul3A_210 = arith.mulf %mul3A_195, %add3A_209 : vector<16xf32>
        %convert_element_type3A_211 = arith.sitofp %add3A_184 : vector<16xi32> to vector<16xf32>
        %mul3A_212 = arith.constant 0.693147182 : f32
        %mul3A_213 = vector.broadcast %mul3A_212 : f32 to vector<16xf32>
        %mul3A_214 = arith.mulf %convert_element_type3A_211, %mul3A_213 : vector<16xf32>
        %add3A_215 = arith.addf %mul3A_214, %mul3A_210 : vector<16xf32>
        %sub3A_216 = arith.subf %add3A_215, %gather3A_152 : vector<16xf32>
        %jit3A_217 = arith.constant 0.000000e+00 : f32
        %broadcast_in_dim3A_218 = vector.broadcast %jit3A_217 : f32 to vector<16xf32>
        %select_n3A_219 = arith.select %gt3A_155, %sub3A_216, %broadcast_in_dim3A_218 : vector<16xi1>, vector<16xf32>
        %add3A_220 = arith.addf %add3A_148, %select_n3A_219 : vector<16xf32>
        %add3A_221 = arith.constant 2 : i32
        %add3A_222 = vector.broadcast %add3A_221 : i32 to vector<16xi32>
        %add3A_223 = arith.addi %mul3A_8, %add3A_222 : vector<16xi32>
        %gather3A_224 = tpu.vector_load_idx %arg11[%add3A_223] : memref<2128xf32, #tpu.memory_space<vmem>>[vector<16xi32>], vector<16xf32>,
        %gt3A_225 = arith.constant 2 : i32
        %gt3A_226 = vector.broadcast %gt3A_225 : i32 to vector<16xi32>
        %gt3A_227 = arith.cmpi sgt, %parallel_loop3A_87#1, %gt3A_226 : vector<16xi32>
        %exp3A_228 = math.exp %gather3A_224 : vector<16xf32>
        %add3A_229 = arith.addf %parallel_loop3A_87#0, %exp3A_228 : vector<16xf32>
        %bitcast3A_230 = vector.bitcast %add3A_229 : vector<16xf32> to vector<16xi32>
        %shift_right_arithmetic3A_231 = arith.constant 23 : i32
        %shift_right_arithmetic3A_232 = vector.broadcast %shift_right_arithmetic3A_231 : i32 to vector<16xi32>
        %shift_right_arithmetic3A_233 = arith.shrsi %bitcast3A_230, %shift_right_arithmetic3A_232 : vector<16xi32>
        %sub3A_234 = arith.constant 127 : i32
        %sub3A_235 = vector.broadcast %sub3A_234 : i32 to vector<16xi32>
        %sub3A_236 = arith.subi %shift_right_arithmetic3A_233, %sub3A_235 : vector<16xi32>
        %and3A_237 = arith.constant 8388607 : i32
        %and3A_238 = vector.broadcast %and3A_237 : i32 to vector<16xi32>
        %and3A_239 = arith.andi %bitcast3A_230, %and3A_238 : vector<16xi32>
        %or3A_240 = arith.constant 1065353216 : i32
        %or3A_241 = vector.broadcast %or3A_240 : i32 to vector<16xi32>
        %or3A_242 = arith.ori %and3A_239, %or3A_241 : vector<16xi32>
        %bitcast3A_243 = vector.bitcast %or3A_242 : vector<16xi32> to vector<16xf32>
        %gt3A_244 = arith.constant 1.41421354 : f32
        %gt3A_245 = vector.broadcast %gt3A_244 : f32 to vector<16xf32>
        %gt3A_246 = arith.cmpf ogt, %bitcast3A_243, %gt3A_245 : vector<16xf32>
        %mul3A_247 = arith.constant 5.000000e-01 : f32
        %mul3A_248 = vector.broadcast %mul3A_247 : f32 to vector<16xf32>
        %mul3A_249 = arith.mulf %bitcast3A_243, %mul3A_248 : vector<16xf32>
        %select_n3A_250 = arith.select %gt3A_246, %mul3A_249, %bitcast3A_243 : vector<16xi1>, vector<16xf32>
        %jit3A_251 = arith.constant 1 : i32
        %jit3A_252 = arith.constant 0 : i32
        %broadcast_in_dim3A_253 = vector.broadcast %jit3A_251 : i32 to vector<16xi32>
        %broadcast_in_dim3A_254 = vector.broadcast %jit3A_252 : i32 to vector<16xi32>
        %select_n3A_255 = arith.select %gt3A_246, %broadcast_in_dim3A_253, %broadcast_in_dim3A_254 : vector<16xi1>, vector<16xi32>
        %add3A_256 = arith.addi %sub3A_236, %select_n3A_255 : vector<16xi32>
        %sub3A_257 = arith.constant 1.000000e+00 : f32
        %sub3A_258 = vector.broadcast %sub3A_257 : f32 to vector<16xf32>
        %sub3A_259 = arith.subf %select_n3A_250, %sub3A_258 : vector<16xf32>
        %add3A_260 = arith.constant 1.000000e+00 : f32
        %add3A_261 = vector.broadcast %add3A_260 : f32 to vector<16xf32>
        %add3A_262 = arith.addf %select_n3A_250, %add3A_261 : vector<16xf32>
        %div3A_263 = arith.divf %sub3A_259, %add3A_262 : vector<16xf32>
        %mul3A_264 = arith.mulf %div3A_263, %div3A_263 : vector<16xf32>
        %mul3A_265 = arith.constant 2.000000e+00 : f32
        %mul3A_266 = vector.broadcast %mul3A_265 : f32 to vector<16xf32>
        %mul3A_267 = arith.mulf %mul3A_266, %div3A_263 : vector<16xf32>
        %mul3A_268 = arith.constant 0.142857149 : f32
        %mul3A_269 = vector.broadcast %mul3A_268 : f32 to vector<16xf32>
        %mul3A_270 = arith.mulf %mul3A_264, %mul3A_269 : vector<16xf32>
        %add3A_271 = arith.constant 2.000000e-01 : f32
        %add3A_272 = vector.broadcast %add3A_271 : f32 to vector<16xf32>
        %add3A_273 = arith.addf %add3A_272, %mul3A_270 : vector<16xf32>
        %mul3A_274 = arith.mulf %mul3A_264, %add3A_273 : vector<16xf32>
        %add3A_275 = arith.constant 0.333333343 : f32
        %add3A_276 = vector.broadcast %add3A_275 : f32 to vector<16xf32>
        %add3A_277 = arith.addf %add3A_276, %mul3A_274 : vector<16xf32>
        %mul3A_278 = arith.mulf %mul3A_264, %add3A_277 : vector<16xf32>
        %add3A_279 = arith.constant 1.000000e+00 : f32
        %add3A_280 = vector.broadcast %add3A_279 : f32 to vector<16xf32>
        %add3A_281 = arith.addf %add3A_280, %mul3A_278 : vector<16xf32>
        %mul3A_282 = arith.mulf %mul3A_267, %add3A_281 : vector<16xf32>
        %convert_element_type3A_283 = arith.sitofp %add3A_256 : vector<16xi32> to vector<16xf32>
        %mul3A_284 = arith.constant 0.693147182 : f32
        %mul3A_285 = vector.broadcast %mul3A_284 : f32 to vector<16xf32>
        %mul3A_286 = arith.mulf %convert_element_type3A_283, %mul3A_285 : vector<16xf32>
        %add3A_287 = arith.addf %mul3A_286, %mul3A_282 : vector<16xf32>
        %sub3A_288 = arith.subf %add3A_287, %gather3A_224 : vector<16xf32>
        %jit3A_289 = arith.constant 0.000000e+00 : f32
        %broadcast_in_dim3A_290 = vector.broadcast %jit3A_289 : f32 to vector<16xf32>
        %select_n3A_291 = arith.select %gt3A_227, %sub3A_288, %broadcast_in_dim3A_290 : vector<16xi1>, vector<16xf32>
        %add3A_292 = arith.addf %add3A_220, %select_n3A_291 : vector<16xf32>
        %add3A_293 = arith.constant 3 : i32
        %add3A_294 = vector.broadcast %add3A_293 : i32 to vector<16xi32>
        %add3A_295 = arith.addi %mul3A_8, %add3A_294 : vector<16xi32>
        %gather3A_296 = tpu.vector_load_idx %arg11[%add3A_295] : memref<2128xf32, #tpu.memory_space<vmem>>[vector<16xi32>], vector<16xf32>,
        %gt3A_297 = arith.constant 3 : i32
        %gt3A_298 = vector.broadcast %gt3A_297 : i32 to vector<16xi32>
        %gt3A_299 = arith.cmpi sgt, %parallel_loop3A_87#1, %gt3A_298 : vector<16xi32>
        %exp3A_300 = math.exp %gather3A_296 : vector<16xf32>
        %add3A_301 = arith.addf %parallel_loop3A_87#0, %exp3A_300 : vector<16xf32>
        %bitcast3A_302 = vector.bitcast %add3A_301 : vector<16xf32> to vector<16xi32>
        %shift_right_arithmetic3A_303 = arith.constant 23 : i32
        %shift_right_arithmetic3A_304 = vector.broadcast %shift_right_arithmetic3A_303 : i32 to vector<16xi32>
        %shift_right_arithmetic3A_305 = arith.shrsi %bitcast3A_302, %shift_right_arithmetic3A_304 : vector<16xi32>
        %sub3A_306 = arith.constant 127 : i32
        %sub3A_307 = vector.broadcast %sub3A_306 : i32 to vector<16xi32>
        %sub3A_308 = arith.subi %shift_right_arithmetic3A_305, %sub3A_307 : vector<16xi32>
        %and3A_309 = arith.constant 8388607 : i32
        %and3A_310 = vector.broadcast %and3A_309 : i32 to vector<16xi32>
        %and3A_311 = arith.andi %bitcast3A_302, %and3A_310 : vector<16xi32>
        %or3A_312 = arith.constant 1065353216 : i32
        %or3A_313 = vector.broadcast %or3A_312 : i32 to vector<16xi32>
        %or3A_314 = arith.ori %and3A_311, %or3A_313 : vector<16xi32>
        %bitcast3A_315 = vector.bitcast %or3A_314 : vector<16xi32> to vector<16xf32>
        %gt3A_316 = arith.constant 1.41421354 : f32
        %gt3A_317 = vector.broadcast %gt3A_316 : f32 to vector<16xf32>
        %gt3A_318 = arith.cmpf ogt, %bitcast3A_315, %gt3A_317 : vector<16xf32>
        %mul3A_319 = arith.constant 5.000000e-01 : f32
        %mul3A_320 = vector.broadcast %mul3A_319 : f32 to vector<16xf32>
        %mul3A_321 = arith.mulf %bitcast3A_315, %mul3A_320 : vector<16xf32>
        %select_n3A_322 = arith.select %gt3A_318, %mul3A_321, %bitcast3A_315 : vector<16xi1>, vector<16xf32>
        %jit3A_323 = arith.constant 1 : i32
        %jit3A_324 = arith.constant 0 : i32
        %broadcast_in_dim3A_325 = vector.broadcast %jit3A_323 : i32 to vector<16xi32>
        %broadcast_in_dim3A_326 = vector.broadcast %jit3A_324 : i32 to vector<16xi32>
        %select_n3A_327 = arith.select %gt3A_318, %broadcast_in_dim3A_325, %broadcast_in_dim3A_326 : vector<16xi1>, vector<16xi32>
        %add3A_328 = arith.addi %sub3A_308, %select_n3A_327 : vector<16xi32>
        %sub3A_329 = arith.constant 1.000000e+00 : f32
        %sub3A_330 = vector.broadcast %sub3A_329 : f32 to vector<16xf32>
        %sub3A_331 = arith.subf %select_n3A_322, %sub3A_330 : vector<16xf32>
        %add3A_332 = arith.constant 1.000000e+00 : f32
        %add3A_333 = vector.broadcast %add3A_332 : f32 to vector<16xf32>
        %add3A_334 = arith.addf %select_n3A_322, %add3A_333 : vector<16xf32>
        %div3A_335 = arith.divf %sub3A_331, %add3A_334 : vector<16xf32>
        %mul3A_336 = arith.mulf %div3A_335, %div3A_335 : vector<16xf32>
        %mul3A_337 = arith.constant 2.000000e+00 : f32
        %mul3A_338 = vector.broadcast %mul3A_337 : f32 to vector<16xf32>
        %mul3A_339 = arith.mulf %mul3A_338, %div3A_335 : vector<16xf32>
        %mul3A_340 = arith.constant 0.142857149 : f32
        %mul3A_341 = vector.broadcast %mul3A_340 : f32 to vector<16xf32>
        %mul3A_342 = arith.mulf %mul3A_336, %mul3A_341 : vector<16xf32>
        %add3A_343 = arith.constant 2.000000e-01 : f32
        %add3A_344 = vector.broadcast %add3A_343 : f32 to vector<16xf32>
        %add3A_345 = arith.addf %add3A_344, %mul3A_342 : vector<16xf32>
        %mul3A_346 = arith.mulf %mul3A_336, %add3A_345 : vector<16xf32>
        %add3A_347 = arith.constant 0.333333343 : f32
        %add3A_348 = vector.broadcast %add3A_347 : f32 to vector<16xf32>
        %add3A_349 = arith.addf %add3A_348, %mul3A_346 : vector<16xf32>
        %mul3A_350 = arith.mulf %mul3A_336, %add3A_349 : vector<16xf32>
        %add3A_351 = arith.constant 1.000000e+00 : f32
        %add3A_352 = vector.broadcast %add3A_351 : f32 to vector<16xf32>
        %add3A_353 = arith.addf %add3A_352, %mul3A_350 : vector<16xf32>
        %mul3A_354 = arith.mulf %mul3A_339, %add3A_353 : vector<16xf32>
        %convert_element_type3A_355 = arith.sitofp %add3A_328 : vector<16xi32> to vector<16xf32>
        %mul3A_356 = arith.constant 0.693147182 : f32
        %mul3A_357 = vector.broadcast %mul3A_356 : f32 to vector<16xf32>
        %mul3A_358 = arith.mulf %convert_element_type3A_355, %mul3A_357 : vector<16xf32>
        %add3A_359 = arith.addf %mul3A_358, %mul3A_354 : vector<16xf32>
        %sub3A_360 = arith.subf %add3A_359, %gather3A_296 : vector<16xf32>
        %jit3A_361 = arith.constant 0.000000e+00 : f32
        %broadcast_in_dim3A_362 = vector.broadcast %jit3A_361 : f32 to vector<16xf32>
        %select_n3A_363 = arith.select %gt3A_299, %sub3A_360, %broadcast_in_dim3A_362 : vector<16xi1>, vector<16xf32>
        %add3A_364 = arith.addf %add3A_292, %select_n3A_363 : vector<16xf32>
        %add3A_365 = arith.constant 4 : i32
        %add3A_366 = vector.broadcast %add3A_365 : i32 to vector<16xi32>
        %add3A_367 = arith.addi %mul3A_8, %add3A_366 : vector<16xi32>
        %gather3A_368 = tpu.vector_load_idx %arg11[%add3A_367] : memref<2128xf32, #tpu.memory_space<vmem>>[vector<16xi32>], vector<16xf32>,
        %gt3A_369 = arith.constant 4 : i32
        %gt3A_370 = vector.broadcast %gt3A_369 : i32 to vector<16xi32>
        %gt3A_371 = arith.cmpi sgt, %parallel_loop3A_87#1, %gt3A_370 : vector<16xi32>
        %exp3A_372 = math.exp %gather3A_368 : vector<16xf32>
        %add3A_373 = arith.addf %parallel_loop3A_87#0, %exp3A_372 : vector<16xf32>
        %bitcast3A_374 = vector.bitcast %add3A_373 : vector<16xf32> to vector<16xi32>
        %shift_right_arithmetic3A_375 = arith.constant 23 : i32
        %shift_right_arithmetic3A_376 = vector.broadcast %shift_right_arithmetic3A_375 : i32 to vector<16xi32>
        %shift_right_arithmetic3A_377 = arith.shrsi %bitcast3A_374, %shift_right_arithmetic3A_376 : vector<16xi32>
        %sub3A_378 = arith.constant 127 : i32
        %sub3A_379 = vector.broadcast %sub3A_378 : i32 to vector<16xi32>
        %sub3A_380 = arith.subi %shift_right_arithmetic3A_377, %sub3A_379 : vector<16xi32>
        %and3A_381 = arith.constant 8388607 : i32
        %and3A_382 = vector.broadcast %and3A_381 : i32 to vector<16xi32>
        %and3A_383 = arith.andi %bitcast3A_374, %and3A_382 : vector<16xi32>
        %or3A_384 = arith.constant 1065353216 : i32
        %or3A_385 = vector.broadcast %or3A_384 : i32 to vector<16xi32>
        %or3A_386 = arith.ori %and3A_383, %or3A_385 : vector<16xi32>
        %bitcast3A_387 = vector.bitcast %or3A_386 : vector<16xi32> to vector<16xf32>
        %gt3A_388 = arith.constant 1.41421354 : f32
        %gt3A_389 = vector.broadcast %gt3A_388 : f32 to vector<16xf32>
        %gt3A_390 = arith.cmpf ogt, %bitcast3A_387, %gt3A_389 : vector<16xf32>
        %mul3A_391 = arith.constant 5.000000e-01 : f32
        %mul3A_392 = vector.broadcast %mul3A_391 : f32 to vector<16xf32>
        %mul3A_393 = arith.mulf %bitcast3A_387, %mul3A_392 : vector<16xf32>
        %select_n3A_394 = arith.select %gt3A_390, %mul3A_393, %bitcast3A_387 : vector<16xi1>, vector<16xf32>
        %jit3A_395 = arith.constant 1 : i32
        %jit3A_396 = arith.constant 0 : i32
        %broadcast_in_dim3A_397 = vector.broadcast %jit3A_395 : i32 to vector<16xi32>
        %broadcast_in_dim3A_398 = vector.broadcast %jit3A_396 : i32 to vector<16xi32>
        %select_n3A_399 = arith.select %gt3A_390, %broadcast_in_dim3A_397, %broadcast_in_dim3A_398 : vector<16xi1>, vector<16xi32>
        %add3A_400 = arith.addi %sub3A_380, %select_n3A_399 : vector<16xi32>
        %sub3A_401 = arith.constant 1.000000e+00 : f32
        %sub3A_402 = vector.broadcast %sub3A_401 : f32 to vector<16xf32>
        %sub3A_403 = arith.subf %select_n3A_394, %sub3A_402 : vector<16xf32>
        %add3A_404 = arith.constant 1.000000e+00 : f32
        %add3A_405 = vector.broadcast %add3A_404 : f32 to vector<16xf32>
        %add3A_406 = arith.addf %select_n3A_394, %add3A_405 : vector<16xf32>
        %div3A_407 = arith.divf %sub3A_403, %add3A_406 : vector<16xf32>
        %mul3A_408 = arith.mulf %div3A_407, %div3A_407 : vector<16xf32>
        %mul3A_409 = arith.constant 2.000000e+00 : f32
        %mul3A_410 = vector.broadcast %mul3A_409 : f32 to vector<16xf32>
        %mul3A_411 = arith.mulf %mul3A_410, %div3A_407 : vector<16xf32>
        %mul3A_412 = arith.constant 0.142857149 : f32
        %mul3A_413 = vector.broadcast %mul3A_412 : f32 to vector<16xf32>
        %mul3A_414 = arith.mulf %mul3A_408, %mul3A_413 : vector<16xf32>
        %add3A_415 = arith.constant 2.000000e-01 : f32
        %add3A_416 = vector.broadcast %add3A_415 : f32 to vector<16xf32>
        %add3A_417 = arith.addf %add3A_416, %mul3A_414 : vector<16xf32>
        %mul3A_418 = arith.mulf %mul3A_408, %add3A_417 : vector<16xf32>
        %add3A_419 = arith.constant 0.333333343 : f32
        %add3A_420 = vector.broadcast %add3A_419 : f32 to vector<16xf32>
        %add3A_421 = arith.addf %add3A_420, %mul3A_418 : vector<16xf32>
        %mul3A_422 = arith.mulf %mul3A_408, %add3A_421 : vector<16xf32>
        %add3A_423 = arith.constant 1.000000e+00 : f32
        %add3A_424 = vector.broadcast %add3A_423 : f32 to vector<16xf32>
        %add3A_425 = arith.addf %add3A_424, %mul3A_422 : vector<16xf32>
        %mul3A_426 = arith.mulf %mul3A_411, %add3A_425 : vector<16xf32>
        %convert_element_type3A_427 = arith.sitofp %add3A_400 : vector<16xi32> to vector<16xf32>
        %mul3A_428 = arith.constant 0.693147182 : f32
        %mul3A_429 = vector.broadcast %mul3A_428 : f32 to vector<16xf32>
        %mul3A_430 = arith.mulf %convert_element_type3A_427, %mul3A_429 : vector<16xf32>
        %add3A_431 = arith.addf %mul3A_430, %mul3A_426 : vector<16xf32>
        %sub3A_432 = arith.subf %add3A_431, %gather3A_368 : vector<16xf32>
        %jit3A_433 = arith.constant 0.000000e+00 : f32
        %broadcast_in_dim3A_434 = vector.broadcast %jit3A_433 : f32 to vector<16xf32>
        %select_n3A_435 = arith.select %gt3A_371, %sub3A_432, %broadcast_in_dim3A_434 : vector<16xi1>, vector<16xf32>
        %add3A_436 = arith.addf %add3A_364, %select_n3A_435 : vector<16xf32>
        %add3A_437 = arith.addi %scan3A_76, %parallel_loop3A_87#1 : vector<16xi32>
        scf.yield %add3A_436, %add3A_437 : vector<16xf32>, vector<16xi32>
      }
      %scan3A_68 = arith.constant 8 : i32
      %lt3A_69 = arith.constant 2 : i32
      %lt3A_70 = arith.cmpi slt, %scan3A_32, %lt3A_69 : i32
      %convert_element_type3A_71 = arith.extui %lt3A_70 : i1 to i32
      %cond3A_72 = arith.constant 0 : i32
      %cond3A_73 = arith.cmpi ne, %convert_element_type3A_71, %cond3A_72 : i32
      scf.if %cond3A_73 {
        %mul3A_74 = arith.constant 2 : i32
        %mul3A_75 = arith.muli %mul3A_74, %scan3A_32 : i32
        %add3A_76 = arith.constant 3 : i32
        %add3A_77 = arith.addi %mul3A_75, %add3A_76 : i32
        %mul3A_78 = arith.constant 16384 : i32
        %mul3A_79 = arith.muli %add3A_77, %mul3A_78 : i32
        %add3A_80 = arith.addi %mul3A_2, %mul3A_79 : i32
        %dma_start3A_81 = tpu.memref_slice %arg2[%add3A_80] : memref<3145728xf32, #tpu.memory_space<hbm>> -> memref<16384xf32, #tpu.memory_space<hbm>>
        %dma_start3A_82 = tpu.memref_slice %arg2[%add3A_80] : memref<3145728xf32, #tpu.memory_space<hbm>> -> memref<16384xf32, #tpu.memory_space<hbm>>
        tpu.enqueue_dma source(%dma_start3A_82 : memref<16384xf32, #tpu.memory_space<hbm>>) target(%arg7 : memref<16384xf32, #tpu.memory_space<vmem>>) target_semaphore(%arg15 : memref<!tpu.dma_semaphore, #tpu.memory_space<semaphore_mem>>)
        %dma_start3A_83 = tpu.memref_slice %arg3[%add3A_80] : memref<3145728xi32, #tpu.memory_space<hbm>> -> memref<16384xi32, #tpu.memory_space<hbm>>
        %dma_start3A_84 = tpu.memref_slice %arg3[%add3A_80] : memref<3145728xi32, #tpu.memory_space<hbm>> -> memref<16384xi32, #tpu.memory_space<hbm>>
        tpu.enqueue_dma source(%dma_start3A_84 : memref<16384xi32, #tpu.memory_space<hbm>>) target(%arg9 : memref<16384xi32, #tpu.memory_space<vmem>>) target_semaphore(%arg17 : memref<!tpu.dma_semaphore, #tpu.memory_space<semaphore_mem>>)
      } else {
      }
      scf.yield %scan3A_67#0, %scan3A_67#1 : vector<16xf32>, vector<16xi32>
    }
    %scan3A_24 = arith.constant 3 : i32
    %swap3A = arith.constant 0 : index
    %swap3A_25 = tpu.vector_load %arg12[%swap3A] {strides = array<i32>} : memref<16xf32, #tpu.memory_space<vmem>>, vector<16xf32>,
    tpu.vector_store %arg12[%swap3A], %scan3A_23#0 {strides = array<i32>} : memref<16xf32, #tpu.memory_space<vmem>>, vector<16xf32>,
    %swap3A_26 = arith.constant 0 : index
    %swap3A_27 = tpu.vector_load %arg13[%swap3A_26] {strides = array<i32>} : memref<16xi32, #tpu.memory_space<vmem>>, vector<16xi32>,
    tpu.vector_store %arg13[%swap3A_26], %scan3A_23#1 {strides = array<i32>} : memref<16xi32, #tpu.memory_space<vmem>>, vector<16xi32>,
    %mul3A_28 = arith.constant 16 : i32
    %mul3A_29 = arith.muli %add3A, %mul3A_28 : i32
    "tpu.region"() ({
      %run_scoped3A = tpu.sem_alloc : memref<!tpu.dma_semaphore, #tpu.memory_space<semaphore_mem>>
      %dma_start3A_32 = tpu.memref_slice %arg4[%mul3A_29] : memref<512xf32, #tpu.memory_space<hbm>> -> memref<16xf32, #tpu.memory_space<hbm>>
      %dma_start3A_33 = tpu.memref_slice %arg4[%mul3A_29] : memref<512xf32, #tpu.memory_space<hbm>> -> memref<16xf32, #tpu.memory_space<hbm>>
      tpu.enqueue_dma source(%arg12 : memref<16xf32, #tpu.memory_space<vmem>>) target(%dma_start3A_33 : memref<16xf32, #tpu.memory_space<hbm>>) target_semaphore(%run_scoped3A : memref<!tpu.dma_semaphore, #tpu.memory_space<semaphore_mem>>)
      %dma_wait3A = tpu.memref_slice %arg4[%mul3A_29] : memref<512xf32, #tpu.memory_space<hbm>> -> memref<16xf32, #tpu.memory_space<hbm>>
      %dma_wait3A_34 = tpu.memref_slice %arg4[%mul3A_29] : memref<512xf32, #tpu.memory_space<hbm>> -> memref<16xf32, #tpu.memory_space<hbm>>
      tpu.wait_dma2 semaphore(%run_scoped3A : memref<!tpu.dma_semaphore, #tpu.memory_space<semaphore_mem>>) src(%arg12 : memref<16xf32, #tpu.memory_space<vmem>>) dst(%dma_wait3A_34 : memref<16xf32, #tpu.memory_space<hbm>>)
      tpu.yield
    }) : () -> ()
    %mul3A_30 = arith.constant 16 : i32
    %mul3A_31 = arith.muli %add3A, %mul3A_30 : i32
    "tpu.region"() ({
      %run_scoped3A = tpu.sem_alloc : memref<!tpu.dma_semaphore, #tpu.memory_space<semaphore_mem>>
      %dma_start3A_32 = tpu.memref_slice %arg5[%mul3A_31] : memref<512xi32, #tpu.memory_space<hbm>> -> memref<16xi32, #tpu.memory_space<hbm>>
      %dma_start3A_33 = tpu.memref_slice %arg5[%mul3A_31] : memref<512xi32, #tpu.memory_space<hbm>> -> memref<16xi32, #tpu.memory_space<hbm>>
      tpu.enqueue_dma source(%arg13 : memref<16xi32, #tpu.memory_space<vmem>>) target(%dma_start3A_33 : memref<16xi32, #tpu.memory_space<hbm>>) target_semaphore(%run_scoped3A : memref<!tpu.dma_semaphore, #tpu.memory_space<semaphore_mem>>)
      %dma_wait3A = tpu.memref_slice %arg5[%mul3A_31] : memref<512xi32, #tpu.memory_space<hbm>> -> memref<16xi32, #tpu.memory_space<hbm>>
      %dma_wait3A_34 = tpu.memref_slice %arg5[%mul3A_31] : memref<512xi32, #tpu.memory_space<hbm>> -> memref<16xi32, #tpu.memory_space<hbm>>
      tpu.wait_dma2 semaphore(%run_scoped3A : memref<!tpu.dma_semaphore, #tpu.memory_space<semaphore_mem>>) src(%arg13 : memref<16xi32, #tpu.memory_space<vmem>>) dst(%dma_wait3A_34 : memref<16xi32, #tpu.memory_space<hbm>>)
      tpu.yield
    }) : () -> ()
    return
  }
}

module attributes {stable_mosaic.version = 14 : i64} {
  func.func @_tc_body(%arg0: i32, %arg1: memref<2048x128xf32, #tpu.memory_space<vmem>>, %arg2: memref<2048x128xi32, #tpu.memory_space<vmem>>, %arg3: memref<1x1xf32, #tpu.memory_space<smem>>, %arg4: memref<1x1xf32, #tpu.memory_space<smem>>) attributes {dimension_semantics = [#tpu.dimension_semantics<arbitrary>], iteration_bounds = array<i64: 20>, scalar_prefetch = 0 : i64, scratch_operands = 0 : i64, tpu.core_type = #tpu.core_type<tc>, window_params = [{transform_indices = @transform_0, window_bounds = array<i64: 2048, 128>}, {transform_indices = @transform_1, window_bounds = array<i64: 2048, 128>}, {transform_indices = @transform_2, window_bounds = array<i64: 1, 1>}, {transform_indices = @transform_3, window_bounds = array<i64: 1, 1>}]} {
    %eq3A = arith.constant 0 : i32
    %eq3A_0 = arith.cmpi eq, %arg0, %eq3A : i32
    %convert_element_type3A = arith.extui %eq3A_0 : i1 to i32
    %cond3A = arith.constant 0 : i32
    %cond3A_1 = arith.cmpi ne, %convert_element_type3A, %cond3A : i32
    scf.if %cond3A_1 {
      %swap3A_96 = arith.constant 0.000000e+00 : f32
      %swap3A_97 = arith.constant 0 : index
      %swap3A_98 = arith.constant 0 : index
      %swap3A_99 = memref.load %arg3[%swap3A_97, %swap3A_98] : memref<1x1xf32, #tpu.memory_space<smem>>
      memref.store %swap3A_96, %arg3[%swap3A_97, %swap3A_98] : memref<1x1xf32, #tpu.memory_space<smem>>
      %swap3A_100 = arith.constant 0.000000e+00 : f32
      %swap3A_101 = arith.constant 0 : index
      %swap3A_102 = arith.constant 0 : index
      %swap3A_103 = memref.load %arg4[%swap3A_101, %swap3A_102] : memref<1x1xf32, #tpu.memory_space<smem>>
      memref.store %swap3A_100, %arg4[%swap3A_101, %swap3A_102] : memref<1x1xf32, #tpu.memory_space<smem>>
    } else {
    }
    %get3A = arith.constant 0 : index
    %get3A_2 = arith.constant 0 : index
    %get3A_3 = vector.load %arg1[%get3A, %get3A_2] : memref<2048x128xf32, #tpu.memory_space<vmem>>, vector<2048x128xf32>
    %get3A_4 = arith.constant 0 : index
    %get3A_5 = arith.constant 0 : index
    %get3A_6 = vector.load %arg2[%get3A_4, %get3A_5] : memref<2048x128xi32, #tpu.memory_space<vmem>>, vector<2048x128xi32>
    %convert_element_type3A_7 = arith.sitofp %get3A_6 : vector<2048x128xi32> to vector<2048x128xf32>
    %eq3A_8 = arith.constant 0 : i32
    %eq3A_9 = vector.broadcast %eq3A_8 : i32 to vector<2048x128xi32>
    %eq3A_10 = arith.cmpi eq, %get3A_6, %eq3A_9 : vector<2048x128xi32>
    %jit3A = arith.constant -1.000000e+30 : f32
    %broadcast_in_dim3A = vector.broadcast %jit3A : f32 to vector<2048x128xf32>
    %select_n3A = arith.select %eq3A_10, %get3A_3, %broadcast_in_dim3A : vector<2048x128xi1>, vector<2048x128xf32>
    %reduce_max3A = arith.constant dense<0xFF800000> : vector<2048xf32>
    %reduce_max3A_11 = vector.multi_reduction <maximumf>, %select_n3A, %reduce_max3A [1] : vector<2048x128xf32> to vector<2048xf32>
    %broadcast_in_dim3A_12 = vector.shape_cast %reduce_max3A_11 : vector<2048xf32> to vector<2048x1xf32>
    %sub3A = vector.broadcast %broadcast_in_dim3A_12 : vector<2048x1xf32> to vector<2048x128xf32>
    %sub3A_13 = arith.subf %get3A_3, %sub3A : vector<2048x128xf32>
    %exp3A = math.exp %sub3A_13 : vector<2048x128xf32>
    %jit3A_14 = arith.constant 0.000000e+00 : f32
    %broadcast_in_dim3A_15 = vector.broadcast %jit3A_14 : f32 to vector<2048x128xf32>
    %select_n3A_16 = arith.select %eq3A_10, %exp3A, %broadcast_in_dim3A_15 : vector<2048x128xi1>, vector<2048x128xf32>
    %reduce_sum3A = arith.constant dense<0.000000e+00> : vector<2048xf32>
    %reduce_sum3A_17 = vector.multi_reduction <add>, %select_n3A_16, %reduce_sum3A [1] : vector<2048x128xf32> to vector<2048xf32>
    %broadcast_in_dim3A_18 = vector.shape_cast %reduce_sum3A_17 : vector<2048xf32> to vector<2048x1xf32>
    %iota3A = tpu.iota {dimensions = array<i32: 0>} : vector<128x128xi32>
    %iota3A_19 = tpu.iota {dimensions = array<i32: 1>} : vector<128x128xi32>
    %lt3A = arith.cmpi slt, %iota3A, %iota3A_19 : vector<128x128xi32>
    %convert_element_type3A_20 = arith.extui %lt3A : vector<128x128xi1> to vector<128x128xi32>
    %convert_element_type3A_21 = arith.sitofp %convert_element_type3A_20 : vector<128x128xi32> to vector<128x128xf32>
    %dot_general3A = arith.constant dense<0.000000e+00> : vector<2048x128xf32>
    %dot_general3A_22 = tpu.matmul %convert_element_type3A_7, %convert_element_type3A_21, %dot_general3A {dimension_numbers = #tpu.dot_dimension_numbers<[1], [0], [0], [1], [0, 0, 1, 1], [], []>, transpose_lhs_hint = false} : vector<2048x128xf32>, vector<128x128xf32>, vector<2048x128xf32> -> vector<2048x128xf32>
    %eq3A_23 = arith.constant 1 : i32
    %eq3A_24 = vector.broadcast %eq3A_23 : i32 to vector<2048x128xi32>
    %eq3A_25 = arith.cmpi eq, %get3A_6, %eq3A_24 : vector<2048x128xi32>
    %sub3A_26 = arith.constant 5.000000e+00 : f32
    %sub3A_27 = arith.constant 5.000000e-01 : f32
    %sub3A_28 = arith.subf %sub3A_26, %sub3A_27 : f32
    %lt3A_29 = vector.broadcast %sub3A_28 : f32 to vector<2048x128xf32>
    %lt3A_30 = arith.cmpf olt, %dot_general3A_22, %lt3A_29 : vector<2048x128xf32>
    %and3A = arith.andi %eq3A_25, %lt3A_30 : vector<2048x128xi1>
    %le3A = vector.broadcast %broadcast_in_dim3A_12 : vector<2048x1xf32> to vector<2048x128xf32>
    %le3A_31 = arith.cmpf ole, %get3A_3, %le3A : vector<2048x128xf32>
    %add3A = vector.broadcast %broadcast_in_dim3A_18 : vector<2048x1xf32> to vector<2048x128xf32>
    %add3A_32 = arith.addf %add3A, %exp3A : vector<2048x128xf32>
    %div3A = vector.broadcast %broadcast_in_dim3A_18 : vector<2048x1xf32> to vector<2048x128xf32>
    %div3A_33 = arith.divf %div3A, %exp3A : vector<2048x128xf32>
    %add3A_34 = arith.constant 1.000000e+00 : f32
    %add3A_35 = vector.broadcast %add3A_34 : f32 to vector<2048x128xf32>
    %add3A_36 = arith.addf %div3A_33, %add3A_35 : vector<2048x128xf32>
    %select_n3A_37 = arith.select %le3A_31, %add3A_32, %add3A_36 : vector<2048x128xi1>, vector<2048x128xf32>
    %jit3A_38 = arith.constant 1.000000e+00 : f32
    %broadcast_in_dim3A_39 = vector.broadcast %jit3A_38 : f32 to vector<2048x128xf32>
    %select_n3A_40 = arith.select %and3A, %select_n3A_37, %broadcast_in_dim3A_39 : vector<2048x128xi1>, vector<2048x128xf32>
    %slice3A = vector.extract_strided_slice %select_n3A_40 {offsets = [0, 0], sizes = [2048, 64], strides = [1, 1]} : vector<2048x128xf32> to vector<2048x64xf32>
    %slice3A_41 = vector.extract_strided_slice %select_n3A_40 {offsets = [0, 64], sizes = [2048, 64], strides = [1, 1]} : vector<2048x128xf32> to vector<2048x64xf32>
    %mul3A = arith.mulf %slice3A, %slice3A_41 : vector<2048x64xf32>
    %slice3A_42 = vector.extract_strided_slice %mul3A {offsets = [0, 0], sizes = [2048, 32], strides = [1, 1]} : vector<2048x64xf32> to vector<2048x32xf32>
    %slice3A_43 = vector.extract_strided_slice %mul3A {offsets = [0, 32], sizes = [2048, 32], strides = [1, 1]} : vector<2048x64xf32> to vector<2048x32xf32>
    %mul3A_44 = arith.mulf %slice3A_42, %slice3A_43 : vector<2048x32xf32>
    %slice3A_45 = vector.extract_strided_slice %mul3A_44 {offsets = [0, 0], sizes = [2048, 16], strides = [1, 1]} : vector<2048x32xf32> to vector<2048x16xf32>
    %slice3A_46 = vector.extract_strided_slice %mul3A_44 {offsets = [0, 16], sizes = [2048, 16], strides = [1, 1]} : vector<2048x32xf32> to vector<2048x16xf32>
    %mul3A_47 = arith.mulf %slice3A_45, %slice3A_46 : vector<2048x16xf32>
    %slice3A_48 = vector.extract_strided_slice %mul3A_47 {offsets = [0, 0], sizes = [2048, 8], strides = [1, 1]} : vector<2048x16xf32> to vector<2048x8xf32>
    %slice3A_49 = vector.extract_strided_slice %mul3A_47 {offsets = [0, 8], sizes = [2048, 8], strides = [1, 1]} : vector<2048x16xf32> to vector<2048x8xf32>
    %mul3A_50 = arith.mulf %slice3A_48, %slice3A_49 : vector<2048x8xf32>
    %slice3A_51 = vector.extract_strided_slice %mul3A_50 {offsets = [0, 0], sizes = [2048, 4], strides = [1, 1]} : vector<2048x8xf32> to vector<2048x4xf32>
    %slice3A_52 = vector.extract_strided_slice %mul3A_50 {offsets = [0, 4], sizes = [2048, 4], strides = [1, 1]} : vector<2048x8xf32> to vector<2048x4xf32>
    %mul3A_53 = arith.mulf %slice3A_51, %slice3A_52 : vector<2048x4xf32>
    %slice3A_54 = vector.extract_strided_slice %mul3A_53 {offsets = [0, 0], sizes = [2048, 2], strides = [1, 1]} : vector<2048x4xf32> to vector<2048x2xf32>
    %slice3A_55 = vector.extract_strided_slice %mul3A_53 {offsets = [0, 2], sizes = [2048, 2], strides = [1, 1]} : vector<2048x4xf32> to vector<2048x2xf32>
    %mul3A_56 = arith.mulf %slice3A_54, %slice3A_55 : vector<2048x2xf32>
    %slice3A_57 = vector.extract_strided_slice %mul3A_56 {offsets = [0, 0], sizes = [2048, 1], strides = [1, 1]} : vector<2048x2xf32> to vector<2048x1xf32>
    %slice3A_58 = vector.extract_strided_slice %mul3A_56 {offsets = [0, 1], sizes = [2048, 1], strides = [1, 1]} : vector<2048x2xf32> to vector<2048x1xf32>
    %mul3A_59 = arith.mulf %slice3A_57, %slice3A_58 : vector<2048x1xf32>
    %sub3A_60 = vector.broadcast %broadcast_in_dim3A_12 : vector<2048x1xf32> to vector<2048x128xf32>
    %sub3A_61 = arith.subf %sub3A_60, %get3A_3 : vector<2048x128xf32>
    %max3A = arith.constant 0.000000e+00 : f32
    %max3A_62 = vector.broadcast %max3A : f32 to vector<2048x128xf32>
    %max3A_63 = arith.maximumf %sub3A_61, %max3A_62 : vector<2048x128xf32>
    %jit3A_64 = arith.constant 0.000000e+00 : f32
    %broadcast_in_dim3A_65 = vector.broadcast %jit3A_64 : f32 to vector<2048x128xf32>
    %select_n3A_66 = arith.select %and3A, %max3A_63, %broadcast_in_dim3A_65 : vector<2048x128xi1>, vector<2048x128xf32>
    %get3A_67 = arith.constant 0 : index
    %get3A_68 = arith.constant 0 : index
    %get3A_69 = memref.load %arg3[%get3A_67, %get3A_68] : memref<1x1xf32, #tpu.memory_space<smem>>
    %squeeze3A = vector.shape_cast %mul3A_59 : vector<2048x1xf32> to vector<2048xf32>
    %log3A = math.log %squeeze3A : vector<2048xf32>
    %reduce_sum3A_70 = vector.shape_cast %log3A : vector<2048xf32> to vector<1x2048xf32>
    %reduce_sum3A_71 = arith.constant dense<0.000000e+00> : vector<1xf32>
    %reduce_sum3A_72 = vector.multi_reduction <add>, %reduce_sum3A_70, %reduce_sum3A_71 [1] : vector<1x2048xf32> to vector<1xf32>
    %reduce_sum3A_73 = vector.shape_cast %reduce_sum3A_72 : vector<1xf32> to vector<1x1xf32>
    %reduce_sum3A_74 = vector.extract %reduce_sum3A_73[0, 0] : f32 from vector<1x1xf32>
    %reduce_sum3A_75 = vector.shape_cast %select_n3A_66 : vector<2048x128xf32> to vector<1x2048x128xf32>
    %reduce_sum3A_76 = arith.constant dense<0.000000e+00> : vector<1xf32>
    %reduce_sum3A_77 = vector.multi_reduction <add>, %reduce_sum3A_75, %reduce_sum3A_76 [1, 2] : vector<1x2048x128xf32> to vector<1xf32>
    %reduce_sum3A_78 = vector.shape_cast %reduce_sum3A_77 : vector<1xf32> to vector<1x1x1xf32>
    %reduce_sum3A_79 = vector.extract %reduce_sum3A_78[0, 0, 0] : f32 from vector<1x1x1xf32>
    %add3A_80 = arith.addf %reduce_sum3A_74, %reduce_sum3A_79 : f32
    %add3A_81 = arith.addf %get3A_69, %add3A_80 : f32
    %swap3A = arith.constant 0 : index
    %swap3A_82 = arith.constant 0 : index
    %swap3A_83 = memref.load %arg3[%swap3A, %swap3A_82] : memref<1x1xf32, #tpu.memory_space<smem>>
    memref.store %add3A_81, %arg3[%swap3A, %swap3A_82] : memref<1x1xf32, #tpu.memory_space<smem>>
    %get3A_84 = arith.constant 0 : index
    %get3A_85 = arith.constant 0 : index
    %get3A_86 = memref.load %arg4[%get3A_84, %get3A_85] : memref<1x1xf32, #tpu.memory_space<smem>>
    %reduce_sum3A_87 = vector.shape_cast %convert_element_type3A_7 : vector<2048x128xf32> to vector<1x2048x128xf32>
    %reduce_sum3A_88 = arith.constant dense<0.000000e+00> : vector<1xf32>
    %reduce_sum3A_89 = vector.multi_reduction <add>, %reduce_sum3A_87, %reduce_sum3A_88 [1, 2] : vector<1x2048x128xf32> to vector<1xf32>
    %reduce_sum3A_90 = vector.shape_cast %reduce_sum3A_89 : vector<1xf32> to vector<1x1x1xf32>
    %reduce_sum3A_91 = vector.extract %reduce_sum3A_90[0, 0, 0] : f32 from vector<1x1x1xf32>
    %add3A_92 = arith.addf %get3A_86, %reduce_sum3A_91 : f32
    %swap3A_93 = arith.constant 0 : index
    %swap3A_94 = arith.constant 0 : index
    %swap3A_95 = memref.load %arg4[%swap3A_93, %swap3A_94] : memref<1x1xf32, #tpu.memory_space<smem>>
    memref.store %add3A_92, %arg4[%swap3A_93, %swap3A_94] : memref<1x1xf32, #tpu.memory_space<smem>>
    return
  }
  func.func @transform_0(%arg0: i32) -> (i32, i32) {
    %c0_i32 = arith.constant 0 : i32
    %c0_i32_0 = arith.constant 0 : i32
    return %arg0, %c0_i32 : i32, i32
  }
  func.func @transform_1(%arg0: i32) -> (i32, i32) {
    %c0_i32 = arith.constant 0 : i32
    %c0_i32_0 = arith.constant 0 : i32
    return %arg0, %c0_i32 : i32, i32
  }
  func.func @transform_2(%arg0: i32) -> (i32, i32) {
    %c0_i32 = arith.constant 0 : i32
    %c0_i32_0 = arith.constant 0 : i32
    %c0_i32_1 = arith.constant 0 : i32
    return %c0_i32, %c0_i32_0 : i32, i32
  }
  func.func @transform_3(%arg0: i32) -> (i32, i32) {
    %c0_i32 = arith.constant 0 : i32
    %c0_i32_0 = arith.constant 0 : i32
    %c0_i32_1 = arith.constant 0 : i32
    return %c0_i32, %c0_i32_0 : i32, i32
  }
}

</mosaic_0001>

<sc_bundles>
// kernel: kernel.4.cloned.1.call-start
scs
__scs_entry_jumppad:
0x0: {  	(pc) =	sbr.rel $0x88, $3  }
0x1: {  	(tag) =	ssettag $0x0;
	lr =	simm.s32 $0x1  }
0x2: {  	[smem:$0x3F9F] =	sst lr;
	_ =	strace $0xD0000000  }
0x3: {  	_ = 	snop  }
0x4: {  	_ = 	snop  }
0x5: {  	_ = 	snop  }
0x6: {  	_ = 	snop  }
0x7: {  	_ = 	snop  }
__scs_overlays_trampoline_lowered:
0x8: {  	[smem:$0x3FAE] =	sst s0  }
0x9: {  	[smem:$0x3FAF] =	sst s1  }
0xa: {  	[smem:$0x3FB0] =	sst s2  }
0xb: {  	[smem:$0x3FB1] =	sst s3  }
0xc: {  	[smem:$0x3FB2] =	sst s4  }
0xd: {  	[smem:$0x3FB3] =	sst s5  }
0xe: {  	[smem:$0x3FB4] =	sst s6  }
0xf: {  	[smem:$0x3FB5] =	sst s7  }
0x10: {  	[smem:$0x3FB6] =	sst s8  }
0x11: {  	[smem:$0x3FB7] =	sst s9;
	s0 =	simm.s32 @!p0 $0x0  }
0x12: {  	s1 =	sld [smem:$0x3F9D];
	s0 =	simm.s32 @p0 $0x1  }
0x13: {  	[smem:$0x3FB8] =	sst s0;
	s0 =	simm.s32 @!p1 $0x0  }
0x14: {  	s2 =	sld [smem:$0x3F9C];
	s0 =	simm.s32 @p1 $0x1  }
0x15: {  	[smem:$0x3FB9] =	sst s0;
	s0 =	simm.s32 @!p2 $0x0  }
0x16: {  	s3 =	sld [smem:$0x3FDB];
	s0 =	simm.s32 @p2 $0x1  }
0x17: {  	s4 =	simm.s32 $0x1BF5;
	[smem:$0x3FBB] =	sst s0  }
0x18: {  	s0 =	sld [smem:$0x3F9E];
	_ =	swait.ge [sflag:s4], $0x0  }
0x19: {  	s7 =	sld [smem:$0x3F9F]  }
0x1a: {  	s8 =	sadd.s32 $0xFFFFE003, lr  }
0x1b: {  	s9 =	sadd.s32 $0xFFFFFEF7, lr;
	s5 =	simm.s32 $0xFFFFFFFF;
	p2 =	slt.u32 s8, $0xFFFFF086  }
0x1c: {  	p1 =	slt.u32 s9, $0xF7A;
	s5 =	simm.s32 @!p2 $0x0  }
0x1d: {  	s5 =	simm.s32 @p1 $0x1;
	p0 =	seq.s32 s7, s2  }
0x1e: {  	s7 =	smul.u32 @!p0 $0xF7A, s2;
	p2 =	seq.s32 @!p0 s5, $0x0  }
0x1f: {  	s9 =	smul.u32 $0xF7A, s1;
	s8 =	simm.s32 @!p0 $0x1BF5;
	p2 =	por !p2, p0  }
0x20: {  	[sflag:s8] =	ssyncset.s32 @!p0 $0xFFFFF086;
	s6 =	sadd.s32 @!p0 s3, s7;
	s7 =	simm.s32 @!p0 $0x108  }
0x21: {  	s3 =	sadd.s32 s3, s9;
	s6 =	sadd.s32 @!p0 $0x88, s6;
	s7 =	simm.s32 @p2 $0x1082  }
0x22: {  	[simem:s7], [sflag:s8] =	dma.local @!p0 [hbm:s6], $0xF7A  }
0x23: {  	s9 =	sor.u32 $0xD0000000, s2;
	s6 =	simm.s32 $0x108;
	_ =	swait.ge @!p0 [sflag:s8], $0x0  }
0x24: {  	s3 =	sadd.s32 $0x88, s3;
	s6 =	simm.s32 @!p1 $0x1082;
	[sflag:s4] =	ssyncset.s32 $0xFFFFF086  }
0x25: {  	[simem:s6], [sflag:s4] =	dma.local [hbm:s3], $0xF7A  }
0x26: {  	[smem:$0x3F9F] =	sst s1;
	(tag) =	ssettag s2;
	_ =	strace s9  }
0x27: {  	s1 =	sld [smem:$0x3FAF]  }
0x28: {  	s2 =	sld [smem:$0x3FB0]  }
0x29: {  	s4 =	sld [smem:$0x3FB2]  }
0x2a: {  	p0 =	seq.s32 s5, $0x0;
	s5 =	sld [smem:$0x3FB3]  }
0x2b: {  	s6 =	sld [smem:$0x3FB4]  }
0x2c: {  	s7 =	sld [smem:$0x3FB5]  }
0x2d: {  	s3 =	simm.s32 $0x108;
	s8 =	sld [smem:$0x3FB6]  }
0x2e: {  	s3 =	simm.s32 @!p0 $0x1082;
	s9 =	sld [smem:$0x3FB7]  }
0x2f: {  	lr =	sadd.s32 s0, s3;
	s0 =	sld [smem:$0x3FAE]  }
0x30: {  	s3 =	sld [smem:$0x3FB1]  }
0x31: {  	[smem:$0x3FBA] =	sst s10  }
0x32: {  	s10 =	sld [smem:$0x3FB8];
	_ =	sdelay $0x3  }
0x33: {  	p0 =	seq.s32 s10, $0x1;
	s10 =	sld [smem:$0x3FBA];
	_ =	sdelay $0x3  }
0x34: {  	[smem:$0x3FBA] =	sst s10  }
0x35: {  	s10 =	sld [smem:$0x3FB9];
	_ =	sdelay $0x3  }
0x36: {  	p1 =	seq.s32 s10, $0x1;
	s10 =	sld [smem:$0x3FBA];
	_ =	sdelay $0x3  }
0x37: {  	[smem:$0x3FBA] =	sst s10  }
0x38: {  	s10 =	sld [smem:$0x3FBB]  }
0x39: {  	_ = 	snop;
	(pc) =	sbr.ind lr, $3  }
0x3a: {  	_ = 	snop  }
0x3b: {  	_ = 	snop  }
0x3c: {  	p2 =	seq.s32 s10, $0x1;
	s10 =	sld [smem:$0x3FBA]  }
0x3d: {  	_ =	shalt  }
0x3e: {  	_ =	shalt  }
0x3f: {  	_ =	shalt  }
0x40: {  	_ =	shalt  }
0x41: {  	_ =	shalt  }
0x42: {  	_ =	shalt  }
0x43: {  	_ =	shalt  }
0x44: {  	_ =	shalt  }
0x45: {  	_ =	shalt  }
0x46: {  	_ =	shalt  }
0x47: {  	_ =	shalt  }
0x48: {  	_ =	shalt  }
0x49: {  	_ =	shalt  }
0x4a: {  	_ =	shalt  }
0x4b: {  	_ =	shalt  }
0x4c: {  	_ =	shalt  }
0x4d: {  	_ =	shalt  }
0x4e: {  	_ =	shalt  }
0x4f: {  	_ =	shalt  }
0x50: {  	_ =	shalt  }
0x51: {  	_ =	shalt  }
0x52: {  	_ =	shalt  }
0x53: {  	_ =	shalt  }
0x54: {  	_ =	shalt  }
0x55: {  	_ =	shalt  }
0x56: {  	_ =	shalt  }
0x57: {  	_ =	shalt  }
0x58: {  	_ =	shalt  }
0x59: {  	_ =	shalt  }
0x5a: {  	_ =	shalt  }
0x5b: {  	_ =	shalt  }
0x5c: {  	_ =	shalt  }
0x5d: {  	_ =	shalt  }
0x5e: {  	_ =	shalt  }
0x5f: {  	_ =	shalt  }
0x60: {  	_ =	shalt  }
0x61: {  	_ =	shalt  }
0x62: {  	_ =	shalt  }
0x63: {  	_ =	shalt  }
0x64: {  	_ =	shalt  }
0x65: {  	_ =	shalt  }
0x66: {  	_ =	shalt  }
0x67: {  	_ =	shalt  }
0x68: {  	_ =	shalt  }
0x69: {  	_ =	shalt  }
0x6a: {  	_ =	shalt  }
0x6b: {  	_ =	shalt  }
0x6c: {  	_ =	shalt  }
0x6d: {  	_ =	shalt  }
0x6e: {  	_ =	shalt  }
0x6f: {  	_ =	shalt  }
0x70: {  	_ =	shalt  }
0x71: {  	_ =	shalt  }
0x72: {  	_ =	shalt  }
0x73: {  	_ =	shalt  }
0x74: {  	_ =	shalt  }
0x75: {  	_ =	shalt  }
0x76: {  	_ =	shalt  }
0x77: {  	_ =	shalt  }
0x78: {  	_ =	shalt  }
0x79: {  	_ =	shalt  }
0x7a: {  	_ =	shalt  }
0x7b: {  	_ =	shalt  }
0x7c: {  	_ =	shalt  }
0x7d: {  	_ =	shalt  }
0x7e: {  	_ =	shalt  }
0x7f: {  	_ =	shalt  }
0x80: {  	_ =	shalt  }
0x81: {  	_ =	shalt  }
0x82: {  	_ =	shalt  }
0x83: {  	_ =	shalt  }
0x84: {  	_ =	shalt  }
0x85: {  	_ =	shalt  }
0x86: {  	_ =	shalt  }
0x87: {  	_ =	shalt  }
.Lfunc_end0:
.L_simem_size_0:
called_computation_lowered:
.L_overlay_start_0:
0x88: {  	s2 =	sld [smem:$0x3FD9]  }
0x89: {  	s3 =	sld [smem:$0x3FFE];
	_ =	sdelay $0x1  }
0x8a: {  	s1 =	srdreg.scid  }
0x8b: {  	s0 =	sand.u32 $0x1, s1  }
0x8c: {  	s16 =	sshll.u32 s0, $0xA;
	s2 =	sadd.s32 s3, s2  }
0x8d: {  	s2 =	sadd.s32 s2, s16  }
0x8e: {  	[smem:$0x3FC6] =	sst s2  }
0x8f: {  	_ = 	snop  }
0x90: {  	(tm) =	ssettm $0x1  }
0x91: {  	s17 =	sld [smem:$0x3FFB];
	_ =	sdelay $0x3  }
0x92: {  	_ =	strace s17  }
0x93: {  	s2 =	sld [smem:$0x3FFC];
	_ =	sdelay $0x3  }
0x94: {  	_ =	strace s2  }
0x95: {  	s2 =	sld [smem:$0x3FFD];
	_ =	sdelay $0x3  }
0x96: {  	_ =	strace s2  }
0x97: {  	_ =	strace $0x8FFFFFFF  }
0x98: {  	s18 =	sld [smem:$0x3FDB];
	_ =	sdelay $0x1  }
0x99: {  	s19 =	simm.s32 $_scs_section_size  }
0x9a: {  	s4 =	simm.s32 $_size__tile_overlayer_lowered;
	s5 =	simm.s32 $_tile_overlayer_lowered  }
0x9b: {  	s22 =	simm.s32 $0x1BFF;
	s21 =	sshll.u32 s5, $0x1;
	s2 =	sadd.s32 s19, s18  }
0x9c: {  	s6 =	simm.s32 $0x0;
	s20 =	sshll.u32 s4, $0x1;
	s4 =	sadd.s32 s21, s2  }
0x9d: {  	[timem:s6], [sflag:s22] =	dma.local [hbm:s4], s20  }
0x9e: {  	_ =	swait.ge [sflag:s22], s20  }
0x9f: {  	s3 =	ssub.s32 $0x0, s20;
	[sflag:s22] =	ssyncset.done $0x0  }
0xa0: {  	[sflag:s22] =	ssyncadd.s32 s3;
	_ =	sdelay $0x1  }
0xa1: {  	s23 =	simm.s32 $0x1B8B  }
0xa2: {  	_ =	swait.ge [sflag:s23], $0x1  }
0xa3: {  	[sflag:s23] =	ssyncset.done $0x0  }
0xa4: {  	s25 =	simm.s32 $0x1B8E;
	s24 =	sld [smem:$0x3FFE];
	[sflag:s23] =	ssyncadd.s32 $0xFFFFFFFF  }
0xa5: {  	s26 =	simm.s32 $execute0_lowered;
	[smem:$0x3FD2] =	sst s25  }
0xa6: {  	s4 =	sshll.u32 s26, $0x1;
	_ =	strace $0x80000046;
	[dreg:$0x1] =	wrdreg $0xFFFFFFFF  }
0xa7: {  	s28 =	simm.s32 $_size_execute0_lowered;
	s2 =	sadd.s32 s2, s4;
	[dreg:$0x0] =	wrdreg $0x0  }
0xa8: {  	s4 =	sshll.u32 s28, $0x1;
	[dreg:$0x2] =	wrdreg s2  }
0xa9: {  	[dreg:$0x3] =	wrdreg s4  }
0xaa: {  	[dreg:$0x4] =	wrdreg $0xC0  }
0xab: {  	_ =	task [dreg:s6], $0x5FFFF  }
0xac: {  	[dreg:$0x1] =	wrdreg $0xFFFFFFFF  }
0xad: {  	[dreg:$0x0] =	wrdreg $0x60  }
0xae: {  	[dreg:$0x2] =	wrdreg s24  }
0xaf: {  	[dreg:$0x3] =	wrdreg $0x9  }
0xb0: {  	_ =	task.clear_ibuf [dreg:s6], $0x4FFFF;
	_ =	strace $0x90000046  }
0xb1: {  	s29 =	simm.s32 $0x9;
	_ =	strace $0x80000048  }
0xb2: {  	_ =	swait.ge [sflag:s29], $0x1  }
0xb3: {  	[sflag:s29] =	ssyncadd.s32 $0xFFFFFFFF  }
0xb4: {  	_ =	strace $0x90000048  }
0xb5: {  	_ =	sfence  }
0xb6: {  	s30 =	sld [smem:$0x0];
	_ =	sdelay $0x2  }
0xb7: {  	s31 =	sshll.u32 s1, $0xD;
	s1 =	sshrl.u32 s1, $0x2  }
0xb8: {  	s3 =	sand.u32 $0x4000, s31;
	s1 =	sadd.s32 s1, s30  }
0xb9: {  	s0 =	sor.u32 s3, s0;
	s1 =	sshll.u32 s1, $0x11  }
0xba: {  	s0 =	sor.u32 s1, s0  }
0xbb: {  	s0 =	sadd.s32 $0x8F2B, s0  }
0xbc: {  	[sflag:s0] =	ssyncadd.remote.s32 $0x1  }
0xbd: {  	_ =	sfence.sel $0xFFFF  }
0xbe: {  	[dreg:$0x0] =	wrdreg $0xFFFFFFFF;
	(pc) =	sbr.abs _section_cstart, $3  }
0xbf: {  	[dreg:$0x1] =	wrdreg $0xFFFFFFFF  }
0xc0: {  	_ =	task.clear_ibuf [dreg:s6], $0x2FFFF;
	_ =	strace $0x9FFFFFFF  }
0xc1: {  	(tm) =	ssettm $0x7FFFFFFF  }
tec
execute0_lowered:
.L_overlay_start_1:
0x0: {  	(tag) =	ssettag $0x1  }
0x1: {  	s1 =	rddreg [dreg:$0x0];
	s0 =	srdreg.scid  }
0x2: {  	s3 =	simm.s32 $0x0;
	s4 =	stileid.u32;
	s14 =	simm.s32 $0x8000  }
0x3: {  	s15 =	simm.s32 $0x4000;
	s16 =	simm.s32 $0xC000;
	s17 =	simm.s32 $0x1  }
0x4: {  	s18 =	simm.s32 $0x3;
	s19 =	simm.s32 $0x10000;
	s20 =	simm.s32 $0x14000  }
0x5: {  	s21 =	simm.s32 $0x2;
	s22 =	simm.s32 $0x4;
	s23 =	simm.s32 $0x14880  }
0x6: {  	s24 =	simm.s32 $0x5;
	s25 =	simm.s32 $0x14900;
	s0 =	sand.u32 $0x1, s0  }
0x7: {  	s26 =	simm.s32 $0x0;
	[smem:$0x7FF] =	sst s3;
	s2 =	sshll.u32 s0, $0x4  }
0x8: {  	_ =	strace $0x80000047;
	s0 =	ssub.s32 $0x2, s0;
	s2 =	sor.u32 s4, s2  }
0x9: {  	s4 =	sadd.s32 $0x60000, s1;
	s5 =	sshrl.u32 s0, $0x1;
	s10 =	smul.u32 $0x18000, s2  }
.Ltmp0:
0xa: {  	v1 =	vlaneseq.u32;
	s2 =	sshll.u32 s2, $0x1;
	s0 =	ssub.s32 s0, s5;
	(pc) =	sbr.rel .LBB2_1-.Ltmp0, $4  }
0xb: {  	v0 =	vmul.u32 $0x85, v1;
	s2 =	sadd.s32 s2, s1;
	s13 =	smax.u32 s0, $0x1;
	s6 =	sshrl.u32 s10, $0x3  }
0xc: {  	s9 =	sadd.s32 $0x8000, s10;
	s10 =	sadd.s32 $0xC000, s10;
	s11 =	sadd.s32 $0xC0200, s2  }
0xd: {  	v2 =	vimm.s32 $0x0;
	v1 =	vmul.u32 $0x80, v1;
	v3 =	vadd.s32 $0x1, v0;
	s12 =	sadd.s32 $0xC0000, s2;
	s5 =	sadd.s32 s4, s6;
	s8 =	sor.u32 $0x800, s6  }
0xe: {  	v4 =	vadd.s32 $0x2, v0;
	v5 =	vadd.s32 $0x3, v0;
	v6 =	vadd.s32 $0x4, v0;
	s6 =	sadd.s32 s1, s6;
	s7 =	sadd.s32 s4, s8;
	s8 =	sadd.s32 s1, s8  }
.LBB2_16:
0xf: {  	[tilespmem:$0x14880] =	vst v8  }
0x10: {  	[tilespmem:$0x14900] =	vst v7  }
0x11: {  	[hbm4b:s11+s3] =	stream.linear.scatter [tilespmem:s23], [sflag:$0x5], $0x10, $0x38;
	[tilespmem:$0x14980] =	vst v63  }
0x12: {  	s26 =	sadd.s32 $0x1, s26;
	_ =	swait.ge [sflag:s24], $0x10  }
0x13: {  	p0 =	sne.s32 s26, s13;
	[sflag:s24] =	ssyncset.done $0x0  }
.Ltmp1:
0x14: {  	[sflag:s24] =	ssyncadd.s32 $0xFFFFFFF0;
	(pc) =	sbr.rel @!p0 .LBB2_17-.Ltmp1, $4  }
0x15: {  	[hbm4b:s12+s3] =	stream.linear.scatter [tilespmem:s25], [sflag:$0x5], $0x10, $0x38;
	[tilespmem:$0x14980] =	vst v63  }
0x16: {  	_ =	swait.ge [sflag:s24], $0x10  }
0x17: {  	[sflag:s24] =	ssyncset.done $0x0  }
0x18: {  	[sflag:s24] =	ssyncadd.s32 $0xFFFFFFF0  }
.LBB2_1:
0x19: {  	[tilespmem:s3], [sflag:$0x1] =	stream.linear.gather [hbm4b:s5+s3], $0x4000, $0x38;
	[tilespmem:$0x14980] =	vst v63  }
0x1a: {  	_ = 	snop  }
0x1b: {  	[tilespmem:s14], [sflag:$0x3] =	stream.linear.gather [hbm4b:s6+s3], $0x4000, $0x38;
	[tilespmem:$0x14980] =	vst v63  }
0x1c: {  	_ = 	snop  }
0x1d: {  	[tilespmem:s15], [sflag:$0x2] =	stream.linear.gather [hbm4b:s7+s3], $0x4000, $0x38;
	[tilespmem:$0x14980] =	vst v63  }
0x1e: {  	s28 =	simm.s32 $0x0  }
0x1f: {  	v8 =	vimm.f32 $0.0e+00;
	v7 =	vimm.s32 $0x0;
	[tilespmem:s16], [sflag:$0x4] =	stream.linear.gather [hbm4b:s8+s3], $0x4000, $0x38;
	[tilespmem:$0x14980] =	vst v63  }
.LBB2_2:
0x20: {  	_ =	swait.ge [sflag:s17], $0x4000  }
0x21: {  	[sflag:s17] =	ssyncset.done $0x0  }
0x22: {  	[sflag:s17] =	ssyncadd.s32 $0xFFFFC000  }
0x23: {  	_ =	swait.ge [sflag:s18], $0x4000  }
0x24: {  	[sflag:s18] =	ssyncset.done $0x0  }
0x25: {  	s0 =	simm.s32 $0x20;
	[sflag:s18] =	ssyncadd.s32 $0xFFFFC000  }
0x26: {  	s30 =	simm.s32 $0x8020;
	v12 =	vld [tilespmem:s0+$0x10]  }
0x27: {  	v13 =	vld [tilespmem:s30+$0x10]  }
0x28: {  	v14 =	vld [tilespmem:s0+$0xFFFFFFF0]  }
0x29: {  	v9 =	vld [tilespmem:s0+$0x0]  }
0x2a: {  	v10 =	vld [tilespmem:s0+$0xFFFFFFE0]  }
0x2b: {  	v11 =	vld [tilespmem:s30+$0xFFFFFFE0];
	v15 =	vand.u32 $0xFFFFFFFE, v12  }
0x2c: {  	s0 =	simm.s32 $0x10020;
	v12 =	vld [tilespmem:s30+$0xFFFFFFF0];
	v15 =	vor.u32 v13, v15  }
0x2d: {  	s31 =	simm.s32 $0x0;
	s2 =	simm.s32 $0x60;
	v14 =	vand.u32 $0xFFFFFFFE, v14;
	v13 =	vld [tilespmem:s30+$0x0];
	[tilespmem:s0+$0x10] =	vst v15  }
.LBB2_3:
0x2e: {  	v15 =	vld [tilespmem:s2+$0x10];
	s31 =	sadd.s32 $0x4, s31;
	v16 =	vand.u32 $0xFFFFFFFE, v9;
	s30 =	sadd.s32 $0x40, s30  }
0x2f: {  	v17 =	vld [tilespmem:s30+$0x10];
	p0 =	slt.u32 s31, $0x3FC;
	v9 =	vand.u32 $0xFFFFFFFE, v10  }
0x30: {  	v18 =	vld [tilespmem:s2+$0xFFFFFFF0];
	v10 =	vor.u32 v11, v9  }
.Ltmp2:
0x31: {  	v9 =	vld [tilespmem:s2+$0x0];
	[tilespmem:s0+$0xFFFFFFE0] =	vst v10;
	v11 =	vor.u32 v12, v14;
	(pc) =	sbr.rel @p0 .LBB2_3-.Ltmp2, $4  }
0x32: {  	v10 =	vld [tilespmem:s2+$0xFFFFFFE0];
	[tilespmem:s0+$0xFFFFFFF0] =	vst v11;
	v12 =	vor.u32 v13, v16  }
0x33: {  	v11 =	vld [tilespmem:s30+$0xFFFFFFE0];
	v13 =	vand.u32 $0xFFFFFFFE, v15;
	[tilespmem:s0+$0x0] =	vst v12  }
0x34: {  	s0 =	sadd.s32 $0x40, s0;
	v12 =	vld [tilespmem:s30+$0xFFFFFFF0];
	v15 =	vor.u32 v17, v13  }
0x35: {  	s29 =	simm.s32 $0x0;
	s2 =	sadd.s32 $0x40, s2;
	v14 =	vand.u32 $0xFFFFFFFE, v18;
	v13 =	vld [tilespmem:s30+$0x0];
	[tilespmem:s0+$0x10] =	vst v15  }
0x36: {  	_ = 	snop  }
0x37: {  	v10 =	vand.u32 $0xFFFFFFFE, v10  }
0x38: {  	v10 =	vor.u32 v11, v10  }
0x39: {  	v9 =	vand.u32 $0xFFFFFFFE, v9;
	[tilespmem:s0+$0xFFFFFFE0] =	vst v10;
	v10 =	vor.u32 v12, v14  }
0x3a: {  	[tilespmem:s0+$0xFFFFFFF0] =	vst v10;
	v9 =	vor.u32 v13, v9  }
0x3b: {  	s30 =	simm.s32 $0x0;
	[tilespmem:s0+$0x0] =	vst v9  }
.LBB2_5:
0x3c: {  	s0 =	sshll.u32 s30, $0x4;
	v9 =	vmov s29  }
0x3d: {  	s2 =	simm.s32 $0x1;
	v10 =	vmov s0;
	v9 =	vand.u32 $0x7C, v9  }
0x3e: {  	v12 =	vmov s2;
	v10 =	vshll.u32 v10, $0x7;
	v9 =	vbroadcast v9, $0x0  }
0x3f: {  	v11 =	vor.u32 v1, v10;
	v10 =	vand.u32 $0x7D, v12  }
0x40: {  	s2 =	simm.s32 $0x2;
	v9 =	vor.u32 v11, v9;
	v10 =	vbroadcast v10, $0x0  }
0x41: {  	v12 =	vmov s2  }
0x42: {  	v12 =	vand.u32 $0x7E, v12;
	v10 =	vor.u32 v11, v10  }
0x43: {  	v12 =	vbroadcast v12, $0x0;
	_ =	sdelay $0x1  }
0x44: {  	v12 =	vor.u32 v11, v12;
	v13 =	vld.idx.msk [tilespmem:v9+s19+$0x0], $0xffff  }
0x45: {  	s2 =	simm.s32 $0x3  }
0x46: {  	v9 =	vor.u32 s2, v11;
	v14 =	vld.idx.msk [tilespmem:v10+s19+$0x0], $0xffff;
	_ =	sdelay $0x2  }
0x47: {  	v15 =	vld.idx.msk [tilespmem:v12+s19+$0x0], $0xffff;
	v16 =	vand.u32 $0xFFFFFFFE, v13  }
0x48: {  	v10 =	vmul.f32 $1.442695020e+00, v16  }
0x49: {  	v20 =	vld.idx.msk [tilespmem:v9+s19+$0x0], $0xffff;
	v9 =	vand.u32 $0xFFFFFFFE, v14  }
0x4a: {  	s2 =	simm.s32 $0x4;
	v12 =	vmul.f32 $1.442695020e+00, v9;
	(erf) = vpow2.f32 v10  }
0x4b: {  	v17 =	vmov s2  }
0x4c: {  	v17 =	vand.u32 $0x7C, v17;
	v10 =	vand.u32 $0xFFFFFFFE, v15;
	(erf) = vpow2.f32 v12  }
0x4d: {  	s2 =	simm.s32 $0x5;
	v17 =	vbroadcast v17, $0x0;
	v18 =	vmul.f32 $1.442695020e+00, v10  }
0x4e: {  	v22 =	vimm.f32 $0.0e+00;
	v19 =	vmov s2  }
0x4f: {  	s2 =	simm.s32 $0x6;
	v17 =	vor.u32 v11, v17;
	v12 =	vand.u32 $0xFFFFFFFE, v20;
	(erf) = vpow2.f32 v18  }
0x50: {  	v21 =	vmul.f32 $1.442695020e+00, v12;
	v18 =	vand.u32 $0x7D, v19;
	v19 =	vmov s2  }
0x51: {  	v13 =	vand.u32 $0x1, v13;
	v18 =	vbroadcast v18, $0x0;
	v19 =	vand.u32 $0x7E, v19  }
0x52: {  	vm1 =	veq.s32 v13, $0x1;
	(erf) = vpow2.f32 v21;
	v19 =	vbroadcast v19, $0x0  }
0x53: {  	v14 =	vand.u32 $0x1, v14;
	v21 =	vimm.s32 $0x0;
	v18 =	vor.u32 v11, v18;
	v23 =	vpop (erf)  }
0x54: {  	vm0 =	vlt.s32 v21, $0x5;
	v24 =	vor.u32 v11, v19;
	v19 =	vsel vm1, $0x0, v23  }
0x55: {  	v17 =	vld.idx.msk [tilespmem:v17+s19+$0x0], $0xffff;
	vm3 =	vmand vm0, vm1;
	vm0 =	veq.s32 v14, $0x1;
	v19 =	vadd.f32 v19, v22;
	v22 =	vpop (erf)  }
0x56: {  	s2 =	simm.s32 $0x7;
	v22 =	vsel vm0, $0x0, v22  }
0x57: {  	v15 =	vand.u32 $0x1, v15;
	v26 =	vor.u32 s2, v11;
	v22 =	vadd.f32 v22, v19  }
0x58: {  	v27 =	vadd.s32 v0, v21;
	vm1 =	veq.s32 v15, $0x1;
	v18 =	vld.idx.msk [tilespmem:v18+s19+$0x0], $0xffff;
	v23 =	vpop (erf)  }
0x59: {  	v19 =	vadd.s32 v21, v13;
	v13 =	vsel vm1, $0x0, v23;
	v21 =	vand.u32 $0x1, v20  }
0x5a: {  	v20 =	vld.idx.msk [tilespmem:v24+s19+$0x0], $0xffff;
	v23 =	vadd.s32 v19, v14;
	vm2 =	veq.s32 v21, $0x1;
	v14 =	vand.u32 $0xFFFFFFFE, v17  }
0x5b: {  	vm5 =	vlt.s32 v19, $0x5;
	v13 =	vadd.f32 v13, v22;
	v24 =	vadd.s32 v23, v15;
	v22 =	vpop (erf)  }
0x5c: {  	v25 =	vmul.f32 $1.442695020e+00, v14;
	v15 =	vsel vm2, $0x0, v22;
	v22 =	vadd.s32 v24, v21;
	v21 =	vld.idx.msk [tilespmem:v26+s19+$0x0], $0xffff  }
0x5d: {  	vm4 =	vlt.s32 v23, $0x5;
	v15 =	vadd.f32 v15, v13;
	v13 =	vand.u32 $0xFFFFFFFE, v18  }
0x5e: {  	s31 =	simm.s32 $0x8;
	vm6 =	vlt.s32 v24, $0x5;
	(erf) = vpow2.f32 v25;
	v25 =	vmul.f32 $1.442695020e+00, v13  }
0x5f: {  	s0 =	simm.s32 $0xC;
	[tilespmem:v27+s20+$0x0] =	vst.idx.msk vm3, v16;
	v26 =	vmov s31;
	v16 =	vand.u32 $0xFFFFFFFE, v20;
	vm3 =	vlt.s32 v22, $0x5  }
.LBB2_6:
0x60: {  	p0 =	slt.u32 s0, $0x7C;
	v26 =	vand.u32 $0x7C, v26;
	s2 =	sadd.s32 $0x1, s31;
	v27 =	vmul.f32 $1.442695020e+00, v16;
	(erf) = vpow2.f32 v25  }
0x61: {  	v28 =	vand.u32 $0xFFFFFFFE, v21;
	v25 =	vbroadcast v26, $0x0;
	v26 =	vmov s2  }
0x62: {  	s2 =	sadd.s32 $0x2, s31;
	v29 =	vmul.f32 $1.442695020e+00, v28;
	v26 =	vand.u32 $0x7D, v26;
	(erf) = vpow2.f32 v27  }
0x63: {  	v27 =	vmov s2;
	v25 =	vor.u32 v11, v25;
	v26 =	vbroadcast v26, $0x0  }
0x64: {  	vm6 =	vmand vm6, vm2;
	v27 =	vand.u32 $0x7E, v27;
	(erf) = vpow2.f32 v29  }
0x65: {  	vm2 =	vmand vm4, vm1;
	v27 =	vbroadcast v27, $0x0;
	v26 =	vor.u32 v11, v26  }
0x66: {  	vm4 =	vmand vm5, vm0;
	v24 =	vadd.s32 v0, v24;
	v29 =	vand.u32 $0x1, v17  }
0x67: {  	v23 =	vadd.s32 v0, v23;
	vm0 =	veq.s32 v29, $0x1;
	v27 =	vor.u32 v11, v27;
	v30 =	vpop (erf)  }
0x68: {  	s2 =	sadd.s32 $0x3, s31;
	s31 =	smov.u32 s0;
	vm3 =	vmand vm3, vm0;
	v17 =	vld.idx.msk [tilespmem:v25+s19+$0x0], $0xffff;
	v32 =	vsel vm0, $0x0, v30;
	v30 =	vand.u32 $0x1, v18  }
0x69: {  	v31 =	vor.u32 s2, v11;
	v15 =	vadd.f32 v32, v15;
	vm0 =	veq.s32 v30, $0x1;
	v25 =	vpop (erf)  }
0x6a: {  	v32 =	vadd.s32 v0, v19;
	v18 =	vld.idx.msk [tilespmem:v26+s19+$0x0], $0xffff;
	v34 =	vsel vm0, $0x0, v25;
	v26 =	vand.u32 $0x1, v20  }
0x6b: {  	v33 =	vadd.s32 v0, v22;
	v15 =	vadd.f32 v34, v15;
	vm1 =	veq.s32 v26, $0x1;
	v25 =	vpop (erf);
	[tilespmem:v24+s20+$0x0] =	vst.idx.msk vm6, v12  }
0x6c: {  	v19 =	vadd.s32 v22, v29;
	v22 =	vand.u32 $0x1, v21;
	v20 =	vld.idx.msk [tilespmem:v27+s19+$0x0], $0xffff;
	v27 =	vsel vm1, $0x0, v25;
	[tilespmem:v23+s20+$0x0] =	vst.idx.msk vm2, v10  }
0x6d: {  	v23 =	vadd.s32 v19, v30;
	vm2 =	veq.s32 v22, $0x1;
	v15 =	vadd.f32 v27, v15;
	v10 =	vpop (erf)  }
.Ltmp3:
0x6e: {  	v12 =	vmovc v28;
	v25 =	vand.u32 $0xFFFFFFFE, v17;
	v24 =	vadd.s32 v23, v26;
	v21 =	vld.idx.msk [tilespmem:v31+s19+$0x0], $0xffff;
	v26 =	vsel vm2, $0x0, v10;
	v10 =	vmovc v16;
	(pc) =	sbr.rel @p0 .LBB2_6-.Ltmp3, $4  }
0x6f: {  	v16 =	vmul.f32 $1.442695020e+00, v25;
	v22 =	vadd.s32 v24, v22;
	v15 =	vadd.f32 v26, v15;
	[tilespmem:v32+s20+$0x0] =	vst.idx.msk vm4, v9  }
0x70: {  	vm6 =	vlt.s32 v24, $0x5;
	vm4 =	vlt.s32 v23, $0x5;
	v9 =	vmovc v13;
	v13 =	vand.u32 $0xFFFFFFFE, v18;
	[tilespmem:v33+s20+$0x0] =	vst.idx.msk vm3, v14;
	v14 =	vmovc v25  }
0x71: {  	vm5 =	vlt.s32 v19, $0x5;
	v25 =	vmul.f32 $1.442695020e+00, v13;
	(erf) = vpow2.f32 v16  }
0x72: {  	s0 =	sadd.s32 $0x4, s0;
	v26 =	vmov s31;
	vm3 =	vlt.s32 v22, $0x5;
	v16 =	vand.u32 $0xFFFFFFFE, v20  }
0x73: {  	s0 =	sadd.s32 $0x1, s31  }
0x74: {  	v26 =	vand.u32 $0x7C, v26;
	(erf) = vpow2.f32 v25;
	s2 =	sadd.s32 $0x2, s31;
	v61 =	vmov s0  }
0x75: {  	v26 =	vbroadcast v26, $0x0;
	v28 =	vmov s2;
	v25 =	vand.u32 $0x7D, v61  }
0x76: {  	v27 =	vmul.f32 $1.442695020e+00, v16;
	v28 =	vand.u32 $0x7E, v28;
	v25 =	vbroadcast v25, $0x0  }
0x77: {  	v29 =	vand.u32 $0xFFFFFFFE, v21;
	v26 =	vor.u32 v11, v26;
	v28 =	vbroadcast v28, $0x0  }
0x78: {  	vm8 =	vmand vm6, vm2;
	vm6 =	vmand vm4, vm1;
	v25 =	vor.u32 v11, v25  }
0x79: {  	v17 =	vand.u32 $0x1, v17;
	vm7 =	vmand vm5, vm0;
	s31 =	sadd.s32 $0x3, s31;
	v28 =	vor.u32 v11, v28  }
0x7a: {  	v24 =	vadd.s32 v0, v24;
	v23 =	vadd.s32 v0, v23;
	v11 =	vor.u32 s31, v11  }
0x7b: {  	v18 =	vand.u32 $0x1, v18;
	v20 =	vand.u32 $0x1, v20;
	v19 =	vadd.s32 v0, v19  }
0x7c: {  	v62 =	vadd.s32 v0, v22;
	v63 =	vand.u32 $0x1, v21;
	vm0 =	veq.s32 v17, $0x1;
	v26 =	vld.idx.msk [tilespmem:v26+s19+$0x0], $0xffff  }
0x7d: {  	vm1 =	veq.s32 v18, $0x1;
	v17 =	vadd.s32 v22, v17;
	vm2 =	veq.s32 v63, $0x1;
	v25 =	vld.idx.msk [tilespmem:v25+s19+$0x0], $0xffff  }
0x7e: {  	vm9 =	vmand vm3, vm0;
	v18 =	vadd.s32 v17, v18;
	vm3 =	veq.s32 v20, $0x1;
	v28 =	vld.idx.msk [tilespmem:v28+s19+$0x0], $0xffff  }
0x7f: {  	vm10 =	vlt.s32 v17, $0x5;
	v17 =	vadd.s32 v0, v17;
	(erf) = vpow2.f32 v27;
	v30 =	vld.idx.msk [tilespmem:v11+s19+$0x0], $0xffff  }
0x80: {  	v20 =	vadd.s32 v18, v20;
	vm4 =	vlt.s32 v18, $0x5;
	vm10 =	vmand vm10, vm1  }
0x81: {  	v21 =	vadd.s32 v20, v63;
	vm13 =	vmand vm4, vm3;
	v11 =	vand.u32 $0x1, v26  }
0x82: {  	vm11 =	vlt.s32 v21, $0x5;
	v32 =	vadd.s32 v21, v11;
	v31 =	vand.u32 $0x1, v25  }
0x83: {  	v33 =	vand.u32 $0x1, v28;
	vm5 =	veq.s32 v31, $0x1;
	v31 =	vadd.s32 v32, v31  }
0x84: {  	[tilespmem:v24+s20+$0x0] =	vst.idx.msk vm8, v12;
	vm4 =	veq.s32 v11, $0x1;
	v11 =	vand.u32 $0x1, v30;
	v12 =	vadd.s32 v31, v33  }
0x85: {  	[tilespmem:v23+s20+$0x0] =	vst.idx.msk vm6, v10;
	vm11 =	vmand vm11, vm4;
	vm6 =	veq.s32 v11, $0x1;
	vm8 =	vlt.s32 v12, $0x5  }
0x86: {  	v18 =	vadd.s32 v0, v18;
	v10 =	vadd.s32 v0, v21;
	vm8 =	vmand vm8, vm6  }
0x87: {  	vm14 =	vlt.s32 v20, $0x5;
	v20 =	vadd.s32 v0, v20;
	[tilespmem:v19+s20+$0x0] =	vst.idx.msk vm7, v9;
	v9 =	vadd.s32 v0, v12  }
0x88: {  	vm12 =	vmand vm14, vm2;
	v23 =	vmul.f32 $1.442695020e+00, v29;
	[tilespmem:v62+s20+$0x0] =	vst.idx.msk vm9, v14;
	vm9 =	vlt.s32 v32, $0x5  }
0x89: {  	vm7 =	veq.s32 v33, $0x1;
	vm14 =	vlt.s32 v31, $0x5;
	vm9 =	vmand vm9, vm5  }
0x8a: {  	[tilespmem:v17+s20+$0x0] =	vst.idx.msk vm10, v13;
	v26 =	vand.u32 $0xFFFFFFFE, v26;
	v24 =	vadd.s32 v0, v32;
	vm14 =	vmand vm14, vm7  }
0x8b: {  	v27 =	vand.u32 $0xFFFFFFFE, v30;
	v22 =	vadd.s32 v0, v31;
	[tilespmem:v10+s20+$0x0] =	vst.idx.msk vm11, v26  }
0x8c: {  	(erf) = vpow2.f32 v23;
	v10 =	vmul.f32 $1.442695020e+00, v26;
	[tilespmem:v9+s20+$0x0] =	vst.idx.msk vm8, v27;
	v9 =	vand.u32 $0xFFFFFFFE, v25  }
0x8d: {  	[tilespmem:v18+s20+$0x0] =	vst.idx.msk vm13, v16  }
0x8e: {  	[tilespmem:v20+s20+$0x0] =	vst.idx.msk vm12, v29;
	(erf) = vpow2.f32 v10;
	v29 =	vmul.f32 $1.442695020e+00, v9  }
0x8f: {  	v28 =	vand.u32 $0xFFFFFFFE, v28;
	[tilespmem:v24+s20+$0x0] =	vst.idx.msk vm9, v9;
	v9 =	vpop (erf)  }
0x90: {  	v16 =	vmul.f32 $1.442695020e+00, v28;
	[tilespmem:v22+s20+$0x0] =	vst.idx.msk vm14, v28;
	(erf) = vpow2.f32 v29;
	v9 =	vsel vm0, $0x0, v9  }
0x91: {  	v10 =	vld.idx.msk [tilespmem:v0+s20+$0x0], $0xffff;
	v30 =	vpop (erf);
	v9 =	vadd.f32 v9, v15  }
0x92: {  	(erf) = vpow2.f32 v16;
	v14 =	vsel vm1, $0x0, v30  }
0x93: {  	v13 =	vmul.f32 $1.442695020e+00, v27;
	v31 =	vpop (erf);
	v9 =	vadd.f32 v14, v9  }
0x94: {  	v14 =	vsel vm3, $0x0, v31  }
0x95: {  	(erf) = vpow2.f32 v13;
	v32 =	vpop (erf);
	v9 =	vadd.f32 v14, v9  }
0x96: {  	v33 =	vmul.f32 $1.442695020e+00, v10;
	v13 =	vsel vm2, $0x0, v32  }
0x97: {  	v34 =	vpop (erf);
	v9 =	vadd.f32 v13, v9  }
0x98: {  	(erf) = vpow2.f32 v33;
	v13 =	vsel vm4, $0x0, v34  }
0x99: {  	v35 =	vpop (erf);
	v9 =	vadd.f32 v13, v9  }
0x9a: {  	v13 =	vsel vm5, $0x0, v35  }
0x9b: {  	v36 =	vpop (erf);
	v9 =	vadd.f32 v13, v9  }
0x9c: {  	v13 =	vsel vm7, $0x0, v36  }
0x9d: {  	v9 =	vadd.f32 v13, v9  }
0x9e: {  	v37 =	vpop (erf)  }
0x9f: {  	v13 =	vsel vm6, $0x0, v37  }
0xa0: {  	v38 =	vadd.f32 v13, v9  }
0xa1: {  	v9 =	vpop (erf)  }
0xa2: {  	v39 =	vadd.f32 v9, v38;
	_ =	sdelay $0x1  }
0xa3: {  	v9 =	vand.u32 $0x7FFFFF, v39  }
0xa4: {  	v16 =	vld.idx.msk [tilespmem:v3+s20+$0x0], $0xffff;
	v9 =	vor.u32 $0x3F800000, v9  }
0xa5: {  	v40 =	vmul.f32 $5.000000000e-01, v9  }
0xa6: {  	vm15 =	vgt.f32 v9, $1.414213540e+00  }
0xa7: {  	v41 =	vsel vm15, v40, v9  }
0xa8: {  	v9 =	vadd.f32 $1.000000000e+00, v41  }
0xa9: {  	v42 =	vmul.f32 $1.442695020e+00, v16  }
0xaa: {  	(erf) = vrcp.f32 v9  }
0xab: {  	(erf) = vpow2.f32 v42;
	_ =	sdelay $0x7  }
0xac: {  	v43 =	vpop (erf)  }
0xad: {  	v9 =	vpop (erf)  }
0xae: {  	v44 =	vadd.f32 v9, v38;
	_ =	sdelay $0x1  }
0xaf: {  	v9 =	vand.u32 $0x7FFFFF, v44  }
0xb0: {  	v45 =	vor.u32 $0x3F800000, v9;
	v9 =	vld.idx.msk [tilespmem:v4+s20+$0x0], $0xffff  }
0xb1: {  	v46 =	vmul.f32 $5.000000000e-01, v45  }
0xb2: {  	vm7 =	vgt.f32 v45, $1.414213540e+00  }
0xb3: {  	v20 =	vsel vm7, v46, v45  }
0xb4: {  	v13 =	vadd.f32 $1.000000000e+00, v20  }
0xb5: {  	v47 =	vmul.f32 $1.442695020e+00, v9  }
0xb6: {  	(erf) = vrcp.f32 v13  }
0xb7: {  	(erf) = vpow2.f32 v47;
	_ =	sdelay $0x7  }
0xb8: {  	v48 =	vpop (erf)  }
0xb9: {  	v49 =	vpop (erf)  }
0xba: {  	v22 =	vadd.f32 v49, v38;
	_ =	sdelay $0x1  }
0xbb: {  	v13 =	vand.u32 $0x7FFFFF, v22  }
0xbc: {  	v50 =	vor.u32 $0x3F800000, v13;
	v13 =	vld.idx.msk [tilespmem:v5+s20+$0x0], $0xffff  }
0xbd: {  	v51 =	vmul.f32 $5.000000000e-01, v50  }
0xbe: {  	vm8 =	vgt.f32 v50, $1.414213540e+00  }
0xbf: {  	v23 =	vsel vm8, v51, v50  }
0xc0: {  	v24 =	vadd.f32 $1.000000000e+00, v23  }
0xc1: {  	v52 =	vmul.f32 $1.442695020e+00, v13  }
0xc2: {  	(erf) = vrcp.f32 v24  }
0xc3: {  	(erf) = vpow2.f32 v52;
	_ =	sdelay $0x7  }
0xc4: {  	v24 =	vpop (erf)  }
0xc5: {  	v25 =	vpop (erf)  }
0xc6: {  	v25 =	vadd.f32 v25, v38;
	_ =	sdelay $0x1  }
0xc7: {  	v53 =	vand.u32 $0x7FFFFF, v25  }
0xc8: {  	v27 =	vld.idx.msk [tilespmem:v6+s20+$0x0], $0xffff;
	v26 =	vor.u32 $0x3F800000, v53  }
0xc9: {  	v54 =	vmul.f32 $5.000000000e-01, v26  }
0xca: {  	vm9 =	vgt.f32 v26, $1.414213540e+00  }
0xcb: {  	v26 =	vsel vm9, v54, v26  }
0xcc: {  	v28 =	vadd.f32 $1.000000000e+00, v26  }
0xcd: {  	v55 =	vmul.f32 $1.442695020e+00, v27  }
0xce: {  	(erf) = vrcp.f32 v28  }
0xcf: {  	(erf) = vpow2.f32 v55;
	_ =	sdelay $0x2  }
0xd0: {  	v17 =	vadd.f32 $-1.000000000e+00, v41;
	_ =	sdelay $0x1  }
0xd1: {  	v17 =	vmul.f32 v43, v17;
	_ =	sdelay $0x1  }
0xd2: {  	v18 =	vmul.f32 v17, v17  }
0xd3: {  	v20 =	vadd.f32 $-1.000000000e+00, v20;
	v28 =	vpop (erf)  }
0xd4: {  	v56 =	vmul.f32 $1.428571490e-01, v18;
	v57 =	vpop (erf)  }
0xd5: {  	v20 =	vmul.f32 v48, v20;
	v14 =	vadd.f32 v57, v38  }
0xd6: {  	v29 =	vadd.f32 $2.000000030e-01, v56  }
0xd7: {  	v15 =	vshra.s32 v39, $0x17;
	v59 =	vmul.f32 v20, v20;
	v58 =	vand.u32 $0x7FFFFF, v14  }
0xd8: {  	v63 =	vsel vm15, $0x1, v2;
	v29 =	vmul.f32 v29, v18;
	v21 =	vor.u32 $0x3F800000, v58  }
0xd9: {  	v15 =	vadd.s32 v63, v15;
	v61 =	vmul.f32 $1.428571490e-01, v59;
	v60 =	vmul.f32 $5.000000000e-01, v21  }
0xda: {  	v37 =	vadd.s32 $0xFFFFFF81, v15;
	vm10 =	vgt.f32 v21, $1.414213540e+00  }
0xdb: {  	v29 =	vadd.f32 $3.333333430e-01, v29;
	v31 =	vadd.f32 $2.000000030e-01, v61;
	v21 =	vsel vm10, v60, v21  }
0xdc: {  	v11 =	vadd.s32 v12, v11;
	v12 =	vcvt.s32.f32 v37;
	v62 =	vadd.f32 $1.000000000e+00, v21  }
0xdd: {  	v18 =	vmul.f32 v29, v18;
	v36 =	vmul.f32 v31, v59  }
0xde: {  	v17 =	vadd.f32 v17, v17;
	v19 =	vshra.s32 v44, $0x17;
	(erf) = vrcp.f32 v62  }
0xdf: {  	v40 =	vsel vm7, $0x1, v2;
	v18 =	vadd.f32 $1.000000000e+00, v18;
	v39 =	vadd.f32 $3.333333430e-01, v36  }
0xe0: {  	v12 =	vmul.f32 $6.931471820e-01, v12;
	v19 =	vadd.s32 v40, v19;
	v23 =	vadd.f32 $-1.000000000e+00, v23  }
0xe1: {  	v19 =	vadd.s32 $0xFFFFFF81, v19;
	v17 =	vmul.f32 v18, v17;
	v18 =	vmul.f32 v39, v59  }
0xe2: {  	v43 =	vcvt.s32.f32 v19;
	v20 =	vadd.f32 v20, v20;
	v38 =	vmul.f32 v24, v23  }
0xe3: {  	v18 =	vadd.f32 $1.000000000e+00, v18;
	v41 =	vadd.f32 $-1.000000000e+00, v26  }
0xe4: {  	v46 =	vmul.f32 $6.931471820e-01, v43;
	v12 =	vadd.f32 v17, v12;
	v24 =	vmul.f32 v38, v38  }
0xe5: {  	v18 =	vmul.f32 v18, v20;
	v23 =	vmul.f32 v28, v41  }
0xe6: {  	v10 =	vsub.f32 v12, v10;
	v42 =	vmul.f32 $1.428571490e-01, v24;
	v21 =	vadd.f32 $-1.000000000e+00, v21  }
0xe7: {  	v51 =	vshra.s32 v22, $0x17;
	v12 =	vadd.f32 v18, v46;
	v45 =	vmul.f32 v23, v23;
	v48 =	vpop (erf)  }
0xe8: {  	v52 =	vsel vm8, $0x1, v2;
	v44 =	vadd.f32 $2.000000030e-01, v42;
	v19 =	vmul.f32 v48, v21  }
0xe9: {  	v12 =	vsub.f32 v12, v16;
	v16 =	vadd.s32 v52, v51;
	v49 =	vmul.f32 $1.428571490e-01, v45  }
0xea: {  	v16 =	vadd.s32 $0xFFFFFF81, v16;
	v47 =	vmul.f32 v44, v24;
	v21 =	vmul.f32 v19, v19  }
0xeb: {  	vm12 =	vgt.s32 v11, $0x1;
	v16 =	vcvt.s32.f32 v16;
	v50 =	vadd.f32 $2.000000030e-01, v49  }
0xec: {  	vm11 =	vgt.s32 v11, $0x0;
	v17 =	vadd.f32 $3.333333430e-01, v47;
	v53 =	vmul.f32 $1.428571490e-01, v21  }
0xed: {  	v10 =	vnsel vm11, $0x0, v10;
	v16 =	vmul.f32 $6.931471820e-01, v16;
	v18 =	vmul.f32 v50, v45  }
0xee: {  	v56 =	vsel vm9, $0x1, v2;
	v17 =	vmul.f32 v17, v24;
	v54 =	vadd.f32 $2.000000030e-01, v53  }
0xef: {  	v55 =	vshra.s32 v25, $0x17;
	v15 =	vadd.f32 v38, v38;
	v18 =	vadd.f32 $3.333333430e-01, v18  }
0xf0: {  	v14 =	vshra.s32 v14, $0x17;
	v17 =	vadd.f32 $1.000000000e+00, v17;
	v57 =	vmul.f32 v54, v21  }
0xf1: {  	v58 =	vadd.f32 v23, v23;
	v59 =	vsel vm10, $0x1, v2;
	v18 =	vmul.f32 v18, v45  }
0xf2: {  	v15 =	vmul.f32 v17, v15;
	v17 =	vadd.s32 v56, v55;
	v20 =	vadd.f32 $3.333333430e-01, v57  }
0xf3: {  	v14 =	vadd.s32 v59, v14;
	v18 =	vadd.f32 $1.000000000e+00, v18;
	v17 =	vadd.s32 $0xFFFFFF81, v17  }
0xf4: {  	v14 =	vadd.s32 $0xFFFFFF81, v14;
	v17 =	vcvt.s32.f32 v17;
	v60 =	vmul.f32 v20, v21  }
0xf5: {  	v14 =	vcvt.s32.f32 v14;
	v18 =	vmul.f32 v18, v58;
	v15 =	vadd.f32 v15, v16  }
0xf6: {  	v17 =	vmul.f32 $6.931471820e-01, v17;
	v19 =	vadd.f32 v19, v19;
	v16 =	vadd.f32 $1.000000000e+00, v60  }
0xf7: {  	v8 =	vadd.f32 v10, v8;
	v10 =	vnsel vm12, $0x0, v12;
	v14 =	vmul.f32 $6.931471820e-01, v14  }
0xf8: {  	v9 =	vsub.f32 v15, v9;
	v61 =	vadd.f32 v18, v17;
	v62 =	vmul.f32 v16, v19  }
0xf9: {  	s30 =	sadd.s32 $0x1, s30;
	vm13 =	vgt.s32 v11, $0x2;
	v8 =	vadd.f32 v10, v8  }
0xfa: {  	p0 =	sne.s32 s30, $0x8;
	v9 =	vnsel vm13, $0x0, v9;
	v10 =	vsub.f32 v61, v13;
	v63 =	vadd.f32 v62, v14  }
.Ltmp4:
0xfb: {  	vm14 =	vgt.s32 v11, $0x3;
	v8 =	vadd.f32 v9, v8;
	(pc) =	sbr.rel @p0 .LBB2_5-.Ltmp4, $4  }
0xfc: {  	v9 =	vnsel vm14, $0x0, v10;
	v10 =	vsub.f32 v63, v27  }
0xfd: {  	vm15 =	vgt.s32 v11, $0x4;
	v8 =	vadd.f32 v9, v8  }
0xfe: {  	v9 =	vnsel vm15, $0x0, v10  }
0xff: {  	v7 =	vadd.s32 v7, v11;
	v8 =	vadd.f32 v9, v8  }
0x100: {  	p0 =	seq.s32 s28, $0x2  }
0x101: {  	s0 =	sshll.u32 @!p0 s28, $0xF  }
0x102: {  	s0 =	sadd.s32 @!p0 s0, s9  }
0x103: {  	s0 =	sshrl.u32 @!p0 s0, $0x3  }
0x104: {  	s29 =	simm.s32 @!p0 $0x0;
	s2 =	sadd.s32 @!p0 s4, s0  }
0x105: {  	[tilespmem:s29], [sflag:$0x1] =	stream.linear.gather @!p0 [hbm4b:s2+s29], $0x4000, $0x38;
	[tilespmem:$0x14980] =	vst v63  }
0x106: {  	s0 =	sadd.s32 @!p0 s1, s0;
	s2 =	simm.s32 @!p0 $0x8000  }
0x107: {  	[tilespmem:s2], [sflag:$0x3] =	stream.linear.gather @!p0 [hbm4b:s0+s29], $0x4000, $0x38;
	[tilespmem:$0x14980] =	vst v63  }
0x108: {  	_ =	swait.ge [sflag:s21], $0x4000  }
0x109: {  	[sflag:s21] =	ssyncset.done $0x0  }
0x10a: {  	[sflag:s21] =	ssyncadd.s32 $0xFFFFC000  }
0x10b: {  	_ =	swait.ge [sflag:s22], $0x4000  }
0x10c: {  	[sflag:s22] =	ssyncset.done $0x0  }
0x10d: {  	s29 =	simm.s32 $0x4020;
	[sflag:s22] =	ssyncadd.s32 $0xFFFFC000  }
0x10e: {  	s30 =	simm.s32 $0xC020;
	v12 =	vld [tilespmem:s29+$0x10]  }
0x10f: {  	v13 =	vld [tilespmem:s30+$0x10]  }
0x110: {  	v14 =	vld [tilespmem:s29+$0xFFFFFFF0]  }
0x111: {  	v9 =	vld [tilespmem:s29+$0x0]  }
0x112: {  	v10 =	vld [tilespmem:s29+$0xFFFFFFE0]  }
0x113: {  	v11 =	vld [tilespmem:s30+$0xFFFFFFE0];
	v15 =	vand.u32 $0xFFFFFFFE, v12  }
0x114: {  	s0 =	simm.s32 $0x10020;
	v12 =	vld [tilespmem:s30+$0xFFFFFFF0];
	v15 =	vor.u32 v13, v15  }
0x115: {  	s31 =	simm.s32 $0x0;
	s2 =	simm.s32 $0x4060;
	v14 =	vand.u32 $0xFFFFFFFE, v14;
	v13 =	vld [tilespmem:s30+$0x0];
	[tilespmem:s0+$0x10] =	vst v15  }
.LBB2_9:
0x116: {  	v15 =	vld [tilespmem:s2+$0x10];
	s31 =	sadd.s32 $0x4, s31;
	v16 =	vand.u32 $0xFFFFFFFE, v9;
	s30 =	sadd.s32 $0x40, s30  }
0x117: {  	v17 =	vld [tilespmem:s30+$0x10];
	p1 =	slt.u32 s31, $0x3FC;
	v9 =	vand.u32 $0xFFFFFFFE, v10  }
0x118: {  	v18 =	vld [tilespmem:s2+$0xFFFFFFF0];
	v10 =	vor.u32 v11, v9  }
.Ltmp5:
0x119: {  	v9 =	vld [tilespmem:s2+$0x0];
	[tilespmem:s0+$0xFFFFFFE0] =	vst v10;
	v11 =	vor.u32 v12, v14;
	(pc) =	sbr.rel @p1 .LBB2_9-.Ltmp5, $4  }
0x11a: {  	v10 =	vld [tilespmem:s2+$0xFFFFFFE0];
	[tilespmem:s0+$0xFFFFFFF0] =	vst v11;
	v12 =	vor.u32 v13, v16  }
0x11b: {  	v11 =	vld [tilespmem:s30+$0xFFFFFFE0];
	v13 =	vand.u32 $0xFFFFFFFE, v15;
	[tilespmem:s0+$0x0] =	vst v12  }
0x11c: {  	s0 =	sadd.s32 $0x40, s0;
	v12 =	vld [tilespmem:s30+$0xFFFFFFF0];
	v15 =	vor.u32 v17, v13  }
0x11d: {  	s29 =	simm.s32 $0x0;
	s2 =	sadd.s32 $0x40, s2;
	v14 =	vand.u32 $0xFFFFFFFE, v18;
	v13 =	vld [tilespmem:s30+$0x0];
	[tilespmem:s0+$0x10] =	vst v15  }
0x11e: {  	_ = 	snop  }
0x11f: {  	v10 =	vand.u32 $0xFFFFFFFE, v10  }
0x120: {  	v10 =	vor.u32 v11, v10  }
0x121: {  	v9 =	vand.u32 $0xFFFFFFFE, v9;
	[tilespmem:s0+$0xFFFFFFE0] =	vst v10;
	v10 =	vor.u32 v12, v14  }
0x122: {  	[tilespmem:s0+$0xFFFFFFF0] =	vst v10;
	v9 =	vor.u32 v13, v9  }
0x123: {  	s30 =	simm.s32 $0x0;
	[tilespmem:s0+$0x0] =	vst v9  }
.LBB2_11:
0x124: {  	s0 =	sshll.u32 s30, $0x4;
	v9 =	vmov s29  }
0x125: {  	s2 =	simm.s32 $0x1;
	v10 =	vmov s0;
	v9 =	vand.u32 $0x7C, v9  }
0x126: {  	v12 =	vmov s2;
	v10 =	vshll.u32 v10, $0x7;
	v9 =	vbroadcast v9, $0x0  }
0x127: {  	v11 =	vor.u32 v1, v10;
	v10 =	vand.u32 $0x7D, v12  }
0x128: {  	s2 =	simm.s32 $0x2;
	v9 =	vor.u32 v11, v9;
	v10 =	vbroadcast v10, $0x0  }
0x129: {  	v12 =	vmov s2  }
0x12a: {  	v12 =	vand.u32 $0x7E, v12;
	v10 =	vor.u32 v11, v10  }
0x12b: {  	v12 =	vbroadcast v12, $0x0;
	_ =	sdelay $0x1  }
0x12c: {  	v12 =	vor.u32 v11, v12;
	v13 =	vld.idx.msk [tilespmem:v9+s19+$0x0], $0xffff  }
0x12d: {  	s2 =	simm.s32 $0x3  }
0x12e: {  	v9 =	vor.u32 s2, v11;
	v14 =	vld.idx.msk [tilespmem:v10+s19+$0x0], $0xffff;
	_ =	sdelay $0x2  }
0x12f: {  	v15 =	vld.idx.msk [tilespmem:v12+s19+$0x0], $0xffff;
	v16 =	vand.u32 $0xFFFFFFFE, v13  }
0x130: {  	v10 =	vmul.f32 $1.442695020e+00, v16  }
0x131: {  	v20 =	vld.idx.msk [tilespmem:v9+s19+$0x0], $0xffff;
	v9 =	vand.u32 $0xFFFFFFFE, v14  }
0x132: {  	s2 =	simm.s32 $0x4;
	v12 =	vmul.f32 $1.442695020e+00, v9;
	(erf) = vpow2.f32 v10  }
0x133: {  	v17 =	vmov s2  }
0x134: {  	v17 =	vand.u32 $0x7C, v17;
	v10 =	vand.u32 $0xFFFFFFFE, v15;
	(erf) = vpow2.f32 v12  }
0x135: {  	s2 =	simm.s32 $0x5;
	v17 =	vbroadcast v17, $0x0;
	v18 =	vmul.f32 $1.442695020e+00, v10  }
0x136: {  	v22 =	vimm.f32 $0.0e+00;
	v19 =	vmov s2  }
0x137: {  	s2 =	simm.s32 $0x6;
	v17 =	vor.u32 v11, v17;
	v12 =	vand.u32 $0xFFFFFFFE, v20;
	(erf) = vpow2.f32 v18  }
0x138: {  	v21 =	vmul.f32 $1.442695020e+00, v12;
	v18 =	vand.u32 $0x7D, v19;
	v19 =	vmov s2  }
0x139: {  	v13 =	vand.u32 $0x1, v13;
	v18 =	vbroadcast v18, $0x0;
	v19 =	vand.u32 $0x7E, v19  }
0x13a: {  	vm1 =	veq.s32 v13, $0x1;
	(erf) = vpow2.f32 v21;
	v19 =	vbroadcast v19, $0x0  }
0x13b: {  	v14 =	vand.u32 $0x1, v14;
	v21 =	vimm.s32 $0x0;
	v18 =	vor.u32 v11, v18;
	v23 =	vpop (erf)  }
0x13c: {  	vm0 =	vlt.s32 v21, $0x5;
	v24 =	vor.u32 v11, v19;
	v19 =	vsel vm1, $0x0, v23  }
0x13d: {  	v17 =	vld.idx.msk [tilespmem:v17+s19+$0x0], $0xffff;
	vm3 =	vmand vm0, vm1;
	vm0 =	veq.s32 v14, $0x1;
	v19 =	vadd.f32 v19, v22;
	v22 =	vpop (erf)  }
0x13e: {  	s2 =	simm.s32 $0x7;
	v22 =	vsel vm0, $0x0, v22  }
0x13f: {  	v15 =	vand.u32 $0x1, v15;
	v26 =	vor.u32 s2, v11;
	v22 =	vadd.f32 v22, v19  }
0x140: {  	v27 =	vadd.s32 v0, v21;
	vm1 =	veq.s32 v15, $0x1;
	v18 =	vld.idx.msk [tilespmem:v18+s19+$0x0], $0xffff;
	v23 =	vpop (erf)  }
0x141: {  	v19 =	vadd.s32 v21, v13;
	v13 =	vsel vm1, $0x0, v23;
	v21 =	vand.u32 $0x1, v20  }
0x142: {  	v20 =	vld.idx.msk [tilespmem:v24+s19+$0x0], $0xffff;
	v23 =	vadd.s32 v19, v14;
	vm2 =	veq.s32 v21, $0x1;
	v14 =	vand.u32 $0xFFFFFFFE, v17  }
0x143: {  	vm5 =	vlt.s32 v19, $0x5;
	v13 =	vadd.f32 v13, v22;
	v24 =	vadd.s32 v23, v15;
	v22 =	vpop (erf)  }
0x144: {  	v25 =	vmul.f32 $1.442695020e+00, v14;
	v15 =	vsel vm2, $0x0, v22;
	v22 =	vadd.s32 v24, v21;
	v21 =	vld.idx.msk [tilespmem:v26+s19+$0x0], $0xffff  }
0x145: {  	vm4 =	vlt.s32 v23, $0x5;
	v15 =	vadd.f32 v15, v13;
	v13 =	vand.u32 $0xFFFFFFFE, v18  }
0x146: {  	s31 =	simm.s32 $0x8;
	vm6 =	vlt.s32 v24, $0x5;
	(erf) = vpow2.f32 v25;
	v25 =	vmul.f32 $1.442695020e+00, v13  }
0x147: {  	s0 =	simm.s32 $0xC;
	[tilespmem:v27+s20+$0x0] =	vst.idx.msk vm3, v16;
	v26 =	vmov s31;
	v16 =	vand.u32 $0xFFFFFFFE, v20;
	vm3 =	vlt.s32 v22, $0x5  }
.LBB2_12:
0x148: {  	p1 =	slt.u32 s0, $0x7C;
	v26 =	vand.u32 $0x7C, v26;
	s2 =	sadd.s32 $0x1, s31;
	v27 =	vmul.f32 $1.442695020e+00, v16;
	(erf) = vpow2.f32 v25  }
0x149: {  	v28 =	vand.u32 $0xFFFFFFFE, v21;
	v25 =	vbroadcast v26, $0x0;
	v26 =	vmov s2  }
0x14a: {  	s2 =	sadd.s32 $0x2, s31;
	v29 =	vmul.f32 $1.442695020e+00, v28;
	v26 =	vand.u32 $0x7D, v26;
	(erf) = vpow2.f32 v27  }
0x14b: {  	v27 =	vmov s2;
	v25 =	vor.u32 v11, v25;
	v26 =	vbroadcast v26, $0x0  }
0x14c: {  	vm6 =	vmand vm6, vm2;
	v27 =	vand.u32 $0x7E, v27;
	(erf) = vpow2.f32 v29  }
0x14d: {  	vm2 =	vmand vm4, vm1;
	v27 =	vbroadcast v27, $0x0;
	v26 =	vor.u32 v11, v26  }
0x14e: {  	vm4 =	vmand vm5, vm0;
	v24 =	vadd.s32 v0, v24;
	v29 =	vand.u32 $0x1, v17  }
0x14f: {  	v23 =	vadd.s32 v0, v23;
	vm0 =	veq.s32 v29, $0x1;
	v27 =	vor.u32 v11, v27;
	v30 =	vpop (erf)  }
0x150: {  	s2 =	sadd.s32 $0x3, s31;
	s31 =	smov.u32 s0;
	vm3 =	vmand vm3, vm0;
	v17 =	vld.idx.msk [tilespmem:v25+s19+$0x0], $0xffff;
	v32 =	vsel vm0, $0x0, v30;
	v30 =	vand.u32 $0x1, v18  }
0x151: {  	v31 =	vor.u32 s2, v11;
	v15 =	vadd.f32 v32, v15;
	vm0 =	veq.s32 v30, $0x1;
	v25 =	vpop (erf)  }
0x152: {  	v32 =	vadd.s32 v0, v19;
	v18 =	vld.idx.msk [tilespmem:v26+s19+$0x0], $0xffff;
	v34 =	vsel vm0, $0x0, v25;
	v26 =	vand.u32 $0x1, v20  }
0x153: {  	v33 =	vadd.s32 v0, v22;
	v15 =	vadd.f32 v34, v15;
	vm1 =	veq.s32 v26, $0x1;
	v25 =	vpop (erf);
	[tilespmem:v24+s20+$0x0] =	vst.idx.msk vm6, v12  }
0x154: {  	v19 =	vadd.s32 v22, v29;
	v22 =	vand.u32 $0x1, v21;
	v20 =	vld.idx.msk [tilespmem:v27+s19+$0x0], $0xffff;
	v27 =	vsel vm1, $0x0, v25;
	[tilespmem:v23+s20+$0x0] =	vst.idx.msk vm2, v10  }
0x155: {  	v23 =	vadd.s32 v19, v30;
	vm2 =	veq.s32 v22, $0x1;
	v15 =	vadd.f32 v27, v15;
	v10 =	vpop (erf)  }
.Ltmp6:
0x156: {  	v12 =	vmovc v28;
	v25 =	vand.u32 $0xFFFFFFFE, v17;
	v24 =	vadd.s32 v23, v26;
	v21 =	vld.idx.msk [tilespmem:v31+s19+$0x0], $0xffff;
	v26 =	vsel vm2, $0x0, v10;
	v10 =	vmovc v16;
	(pc) =	sbr.rel @p1 .LBB2_12-.Ltmp6, $4  }
0x157: {  	v16 =	vmul.f32 $1.442695020e+00, v25;
	v22 =	vadd.s32 v24, v22;
	v15 =	vadd.f32 v26, v15;
	[tilespmem:v32+s20+$0x0] =	vst.idx.msk vm4, v9  }
0x158: {  	vm6 =	vlt.s32 v24, $0x5;
	vm4 =	vlt.s32 v23, $0x5;
	v9 =	vmovc v13;
	v13 =	vand.u32 $0xFFFFFFFE, v18;
	[tilespmem:v33+s20+$0x0] =	vst.idx.msk vm3, v14;
	v14 =	vmovc v25  }
0x159: {  	vm5 =	vlt.s32 v19, $0x5;
	v25 =	vmul.f32 $1.442695020e+00, v13;
	(erf) = vpow2.f32 v16  }
0x15a: {  	s0 =	sadd.s32 $0x4, s0;
	v26 =	vmov s31;
	vm3 =	vlt.s32 v22, $0x5;
	v16 =	vand.u32 $0xFFFFFFFE, v20  }
0x15b: {  	s0 =	sadd.s32 $0x1, s31  }
0x15c: {  	v26 =	vand.u32 $0x7C, v26;
	(erf) = vpow2.f32 v25;
	s2 =	sadd.s32 $0x2, s31;
	v61 =	vmov s0  }
0x15d: {  	v26 =	vbroadcast v26, $0x0;
	v28 =	vmov s2;
	v25 =	vand.u32 $0x7D, v61  }
0x15e: {  	v27 =	vmul.f32 $1.442695020e+00, v16;
	v28 =	vand.u32 $0x7E, v28;
	v25 =	vbroadcast v25, $0x0  }
0x15f: {  	v29 =	vand.u32 $0xFFFFFFFE, v21;
	v26 =	vor.u32 v11, v26;
	v28 =	vbroadcast v28, $0x0  }
0x160: {  	vm8 =	vmand vm6, vm2;
	vm6 =	vmand vm4, vm1;
	v25 =	vor.u32 v11, v25  }
0x161: {  	v17 =	vand.u32 $0x1, v17;
	vm7 =	vmand vm5, vm0;
	s31 =	sadd.s32 $0x3, s31;
	v28 =	vor.u32 v11, v28  }
0x162: {  	v24 =	vadd.s32 v0, v24;
	v23 =	vadd.s32 v0, v23;
	v11 =	vor.u32 s31, v11  }
0x163: {  	v18 =	vand.u32 $0x1, v18;
	v20 =	vand.u32 $0x1, v20;
	v19 =	vadd.s32 v0, v19  }
0x164: {  	v62 =	vadd.s32 v0, v22;
	v63 =	vand.u32 $0x1, v21;
	vm0 =	veq.s32 v17, $0x1;
	v26 =	vld.idx.msk [tilespmem:v26+s19+$0x0], $0xffff  }
0x165: {  	vm1 =	veq.s32 v18, $0x1;
	v17 =	vadd.s32 v22, v17;
	vm2 =	veq.s32 v63, $0x1;
	v25 =	vld.idx.msk [tilespmem:v25+s19+$0x0], $0xffff  }
0x166: {  	vm9 =	vmand vm3, vm0;
	v18 =	vadd.s32 v17, v18;
	vm3 =	veq.s32 v20, $0x1;
	v28 =	vld.idx.msk [tilespmem:v28+s19+$0x0], $0xffff  }
0x167: {  	vm10 =	vlt.s32 v17, $0x5;
	v17 =	vadd.s32 v0, v17;
	(erf) = vpow2.f32 v27;
	v30 =	vld.idx.msk [tilespmem:v11+s19+$0x0], $0xffff  }
0x168: {  	v20 =	vadd.s32 v18, v20;
	vm4 =	vlt.s32 v18, $0x5;
	vm10 =	vmand vm10, vm1  }
0x169: {  	v21 =	vadd.s32 v20, v63;
	vm13 =	vmand vm4, vm3;
	v11 =	vand.u32 $0x1, v26  }
0x16a: {  	vm11 =	vlt.s32 v21, $0x5;
	v32 =	vadd.s32 v21, v11;
	v31 =	vand.u32 $0x1, v25  }
0x16b: {  	v33 =	vand.u32 $0x1, v28;
	vm5 =	veq.s32 v31, $0x1;
	v31 =	vadd.s32 v32, v31  }
0x16c: {  	[tilespmem:v24+s20+$0x0] =	vst.idx.msk vm8, v12;
	vm4 =	veq.s32 v11, $0x1;
	v11 =	vand.u32 $0x1, v30;
	v12 =	vadd.s32 v31, v33  }
0x16d: {  	[tilespmem:v23+s20+$0x0] =	vst.idx.msk vm6, v10;
	vm11 =	vmand vm11, vm4;
	vm6 =	veq.s32 v11, $0x1;
	vm8 =	vlt.s32 v12, $0x5  }
0x16e: {  	v18 =	vadd.s32 v0, v18;
	v10 =	vadd.s32 v0, v21;
	vm8 =	vmand vm8, vm6  }
0x16f: {  	vm14 =	vlt.s32 v20, $0x5;
	v20 =	vadd.s32 v0, v20;
	[tilespmem:v19+s20+$0x0] =	vst.idx.msk vm7, v9;
	v9 =	vadd.s32 v0, v12  }
0x170: {  	vm12 =	vmand vm14, vm2;
	v23 =	vmul.f32 $1.442695020e+00, v29;
	[tilespmem:v62+s20+$0x0] =	vst.idx.msk vm9, v14;
	vm9 =	vlt.s32 v32, $0x5  }
0x171: {  	vm7 =	veq.s32 v33, $0x1;
	vm14 =	vlt.s32 v31, $0x5;
	vm9 =	vmand vm9, vm5  }
0x172: {  	[tilespmem:v17+s20+$0x0] =	vst.idx.msk vm10, v13;
	v26 =	vand.u32 $0xFFFFFFFE, v26;
	v24 =	vadd.s32 v0, v32;
	vm14 =	vmand vm14, vm7  }
0x173: {  	v27 =	vand.u32 $0xFFFFFFFE, v30;
	v22 =	vadd.s32 v0, v31;
	[tilespmem:v10+s20+$0x0] =	vst.idx.msk vm11, v26  }
0x174: {  	(erf) = vpow2.f32 v23;
	v10 =	vmul.f32 $1.442695020e+00, v26;
	[tilespmem:v9+s20+$0x0] =	vst.idx.msk vm8, v27;
	v9 =	vand.u32 $0xFFFFFFFE, v25  }
0x175: {  	[tilespmem:v18+s20+$0x0] =	vst.idx.msk vm13, v16  }
0x176: {  	[tilespmem:v20+s20+$0x0] =	vst.idx.msk vm12, v29;
	(erf) = vpow2.f32 v10;
	v29 =	vmul.f32 $1.442695020e+00, v9  }
0x177: {  	v28 =	vand.u32 $0xFFFFFFFE, v28;
	[tilespmem:v24+s20+$0x0] =	vst.idx.msk vm9, v9;
	v9 =	vpop (erf)  }
0x178: {  	v16 =	vmul.f32 $1.442695020e+00, v28;
	[tilespmem:v22+s20+$0x0] =	vst.idx.msk vm14, v28;
	(erf) = vpow2.f32 v29;
	v9 =	vsel vm0, $0x0, v9  }
0x179: {  	v10 =	vld.idx.msk [tilespmem:v0+s20+$0x0], $0xffff;
	v30 =	vpop (erf);
	v9 =	vadd.f32 v9, v15  }
0x17a: {  	(erf) = vpow2.f32 v16;
	v14 =	vsel vm1, $0x0, v30  }
0x17b: {  	v13 =	vmul.f32 $1.442695020e+00, v27;
	v31 =	vpop (erf);
	v9 =	vadd.f32 v14, v9  }
0x17c: {  	v14 =	vsel vm3, $0x0, v31  }
0x17d: {  	(erf) = vpow2.f32 v13;
	v32 =	vpop (erf);
	v9 =	vadd.f32 v14, v9  }
0x17e: {  	v33 =	vmul.f32 $1.442695020e+00, v10;
	v13 =	vsel vm2, $0x0, v32  }
0x17f: {  	v34 =	vpop (erf);
	v9 =	vadd.f32 v13, v9  }
0x180: {  	(erf) = vpow2.f32 v33;
	v13 =	vsel vm4, $0x0, v34  }
0x181: {  	v35 =	vpop (erf);
	v9 =	vadd.f32 v13, v9  }
0x182: {  	v13 =	vsel vm5, $0x0, v35  }
0x183: {  	v36 =	vpop (erf);
	v9 =	vadd.f32 v13, v9  }
0x184: {  	v13 =	vsel vm7, $0x0, v36  }
0x185: {  	v9 =	vadd.f32 v13, v9  }
0x186: {  	v37 =	vpop (erf)  }
0x187: {  	v13 =	vsel vm6, $0x0, v37  }
0x188: {  	v38 =	vadd.f32 v13, v9  }
0x189: {  	v9 =	vpop (erf)  }
0x18a: {  	v39 =	vadd.f32 v9, v38;
	_ =	sdelay $0x1  }
0x18b: {  	v9 =	vand.u32 $0x7FFFFF, v39  }
0x18c: {  	v16 =	vld.idx.msk [tilespmem:v3+s20+$0x0], $0xffff;
	v9 =	vor.u32 $0x3F800000, v9  }
0x18d: {  	v40 =	vmul.f32 $5.000000000e-01, v9  }
0x18e: {  	vm15 =	vgt.f32 v9, $1.414213540e+00  }
0x18f: {  	v41 =	vsel vm15, v40, v9  }
0x190: {  	v9 =	vadd.f32 $1.000000000e+00, v41  }
0x191: {  	v42 =	vmul.f32 $1.442695020e+00, v16  }
0x192: {  	(erf) = vrcp.f32 v9  }
0x193: {  	(erf) = vpow2.f32 v42;
	_ =	sdelay $0x7  }
0x194: {  	v43 =	vpop (erf)  }
0x195: {  	v9 =	vpop (erf)  }
0x196: {  	v44 =	vadd.f32 v9, v38;
	_ =	sdelay $0x1  }
0x197: {  	v9 =	vand.u32 $0x7FFFFF, v44  }
0x198: {  	v45 =	vor.u32 $0x3F800000, v9;
	v9 =	vld.idx.msk [tilespmem:v4+s20+$0x0], $0xffff  }
0x199: {  	v46 =	vmul.f32 $5.000000000e-01, v45  }
0x19a: {  	vm7 =	vgt.f32 v45, $1.414213540e+00  }
0x19b: {  	v20 =	vsel vm7, v46, v45  }
0x19c: {  	v13 =	vadd.f32 $1.000000000e+00, v20  }
0x19d: {  	v47 =	vmul.f32 $1.442695020e+00, v9  }
0x19e: {  	(erf) = vrcp.f32 v13  }
0x19f: {  	(erf) = vpow2.f32 v47;
	_ =	sdelay $0x7  }
0x1a0: {  	v48 =	vpop (erf)  }
0x1a1: {  	v49 =	vpop (erf)  }
0x1a2: {  	v22 =	vadd.f32 v49, v38;
	_ =	sdelay $0x1  }
0x1a3: {  	v13 =	vand.u32 $0x7FFFFF, v22  }
0x1a4: {  	v50 =	vor.u32 $0x3F800000, v13;
	v13 =	vld.idx.msk [tilespmem:v5+s20+$0x0], $0xffff  }
0x1a5: {  	v51 =	vmul.f32 $5.000000000e-01, v50  }
0x1a6: {  	vm8 =	vgt.f32 v50, $1.414213540e+00  }
0x1a7: {  	v23 =	vsel vm8, v51, v50  }
0x1a8: {  	v24 =	vadd.f32 $1.000000000e+00, v23  }
0x1a9: {  	v52 =	vmul.f32 $1.442695020e+00, v13  }
0x1aa: {  	(erf) = vrcp.f32 v24  }
0x1ab: {  	(erf) = vpow2.f32 v52;
	_ =	sdelay $0x7  }
0x1ac: {  	v24 =	vpop (erf)  }
0x1ad: {  	v25 =	vpop (erf)  }
0x1ae: {  	v25 =	vadd.f32 v25, v38;
	_ =	sdelay $0x1  }
0x1af: {  	v53 =	vand.u32 $0x7FFFFF, v25  }
0x1b0: {  	v27 =	vld.idx.msk [tilespmem:v6+s20+$0x0], $0xffff;
	v26 =	vor.u32 $0x3F800000, v53  }
0x1b1: {  	v54 =	vmul.f32 $5.000000000e-01, v26  }
0x1b2: {  	vm9 =	vgt.f32 v26, $1.414213540e+00  }
0x1b3: {  	v26 =	vsel vm9, v54, v26  }
0x1b4: {  	v28 =	vadd.f32 $1.000000000e+00, v26  }
0x1b5: {  	v55 =	vmul.f32 $1.442695020e+00, v27  }
0x1b6: {  	(erf) = vrcp.f32 v28  }
0x1b7: {  	(erf) = vpow2.f32 v55;
	_ =	sdelay $0x2  }
0x1b8: {  	v17 =	vadd.f32 $-1.000000000e+00, v41;
	_ =	sdelay $0x1  }
0x1b9: {  	v17 =	vmul.f32 v43, v17;
	_ =	sdelay $0x1  }
0x1ba: {  	v18 =	vmul.f32 v17, v17  }
0x1bb: {  	v20 =	vadd.f32 $-1.000000000e+00, v20;
	v28 =	vpop (erf)  }
0x1bc: {  	v56 =	vmul.f32 $1.428571490e-01, v18;
	v57 =	vpop (erf)  }
0x1bd: {  	v20 =	vmul.f32 v48, v20;
	v14 =	vadd.f32 v57, v38  }
0x1be: {  	v29 =	vadd.f32 $2.000000030e-01, v56  }
0x1bf: {  	v15 =	vshra.s32 v39, $0x17;
	v59 =	vmul.f32 v20, v20;
	v58 =	vand.u32 $0x7FFFFF, v14  }
0x1c0: {  	v63 =	vsel vm15, $0x1, v2;
	v29 =	vmul.f32 v29, v18;
	v21 =	vor.u32 $0x3F800000, v58  }
0x1c1: {  	v15 =	vadd.s32 v63, v15;
	v61 =	vmul.f32 $1.428571490e-01, v59;
	v60 =	vmul.f32 $5.000000000e-01, v21  }
0x1c2: {  	v37 =	vadd.s32 $0xFFFFFF81, v15;
	vm10 =	vgt.f32 v21, $1.414213540e+00  }
0x1c3: {  	v29 =	vadd.f32 $3.333333430e-01, v29;
	v31 =	vadd.f32 $2.000000030e-01, v61;
	v21 =	vsel vm10, v60, v21  }
0x1c4: {  	v11 =	vadd.s32 v12, v11;
	v12 =	vcvt.s32.f32 v37;
	v62 =	vadd.f32 $1.000000000e+00, v21  }
0x1c5: {  	v18 =	vmul.f32 v29, v18;
	v36 =	vmul.f32 v31, v59  }
0x1c6: {  	v17 =	vadd.f32 v17, v17;
	v19 =	vshra.s32 v44, $0x17;
	(erf) = vrcp.f32 v62  }
0x1c7: {  	v40 =	vsel vm7, $0x1, v2;
	v18 =	vadd.f32 $1.000000000e+00, v18;
	v39 =	vadd.f32 $3.333333430e-01, v36  }
0x1c8: {  	v12 =	vmul.f32 $6.931471820e-01, v12;
	v19 =	vadd.s32 v40, v19;
	v23 =	vadd.f32 $-1.000000000e+00, v23  }
0x1c9: {  	v19 =	vadd.s32 $0xFFFFFF81, v19;
	v17 =	vmul.f32 v18, v17;
	v18 =	vmul.f32 v39, v59  }
0x1ca: {  	v43 =	vcvt.s32.f32 v19;
	v20 =	vadd.f32 v20, v20;
	v38 =	vmul.f32 v24, v23  }
0x1cb: {  	v18 =	vadd.f32 $1.000000000e+00, v18;
	v41 =	vadd.f32 $-1.000000000e+00, v26  }
0x1cc: {  	v46 =	vmul.f32 $6.931471820e-01, v43;
	v12 =	vadd.f32 v17, v12;
	v24 =	vmul.f32 v38, v38  }
0x1cd: {  	v18 =	vmul.f32 v18, v20;
	v23 =	vmul.f32 v28, v41  }
0x1ce: {  	v10 =	vsub.f32 v12, v10;
	v42 =	vmul.f32 $1.428571490e-01, v24;
	v21 =	vadd.f32 $-1.000000000e+00, v21  }
0x1cf: {  	v51 =	vshra.s32 v22, $0x17;
	v12 =	vadd.f32 v18, v46;
	v45 =	vmul.f32 v23, v23;
	v48 =	vpop (erf)  }
0x1d0: {  	v52 =	vsel vm8, $0x1, v2;
	v44 =	vadd.f32 $2.000000030e-01, v42;
	v19 =	vmul.f32 v48, v21  }
0x1d1: {  	v12 =	vsub.f32 v12, v16;
	v16 =	vadd.s32 v52, v51;
	v49 =	vmul.f32 $1.428571490e-01, v45  }
0x1d2: {  	v16 =	vadd.s32 $0xFFFFFF81, v16;
	v47 =	vmul.f32 v44, v24;
	v21 =	vmul.f32 v19, v19  }
0x1d3: {  	vm12 =	vgt.s32 v11, $0x1;
	v16 =	vcvt.s32.f32 v16;
	v50 =	vadd.f32 $2.000000030e-01, v49  }
0x1d4: {  	vm11 =	vgt.s32 v11, $0x0;
	v17 =	vadd.f32 $3.333333430e-01, v47;
	v53 =	vmul.f32 $1.428571490e-01, v21  }
0x1d5: {  	v10 =	vnsel vm11, $0x0, v10;
	v16 =	vmul.f32 $6.931471820e-01, v16;
	v18 =	vmul.f32 v50, v45  }
0x1d6: {  	v56 =	vsel vm9, $0x1, v2;
	v17 =	vmul.f32 v17, v24;
	v54 =	vadd.f32 $2.000000030e-01, v53  }
0x1d7: {  	v55 =	vshra.s32 v25, $0x17;
	v15 =	vadd.f32 v38, v38;
	v18 =	vadd.f32 $3.333333430e-01, v18  }
0x1d8: {  	v14 =	vshra.s32 v14, $0x17;
	v17 =	vadd.f32 $1.000000000e+00, v17;
	v57 =	vmul.f32 v54, v21  }
0x1d9: {  	v58 =	vadd.f32 v23, v23;
	v59 =	vsel vm10, $0x1, v2;
	v18 =	vmul.f32 v18, v45  }
0x1da: {  	v15 =	vmul.f32 v17, v15;
	v17 =	vadd.s32 v56, v55;
	v20 =	vadd.f32 $3.333333430e-01, v57  }
0x1db: {  	v14 =	vadd.s32 v59, v14;
	v18 =	vadd.f32 $1.000000000e+00, v18;
	v17 =	vadd.s32 $0xFFFFFF81, v17  }
0x1dc: {  	v14 =	vadd.s32 $0xFFFFFF81, v14;
	v17 =	vcvt.s32.f32 v17;
	v60 =	vmul.f32 v20, v21  }
0x1dd: {  	v14 =	vcvt.s32.f32 v14;
	v18 =	vmul.f32 v18, v58;
	v15 =	vadd.f32 v15, v16  }
0x1de: {  	v17 =	vmul.f32 $6.931471820e-01, v17;
	v19 =	vadd.f32 v19, v19;
	v16 =	vadd.f32 $1.000000000e+00, v60  }
0x1df: {  	v8 =	vadd.f32 v10, v8;
	v10 =	vnsel vm12, $0x0, v12;
	v14 =	vmul.f32 $6.931471820e-01, v14  }
0x1e0: {  	v9 =	vsub.f32 v15, v9;
	v61 =	vadd.f32 v18, v17;
	v62 =	vmul.f32 v16, v19  }
0x1e1: {  	vm13 =	vgt.s32 v11, $0x2;
	v8 =	vadd.f32 v10, v8  }
0x1e2: {  	s30 =	sadd.s32 $0x1, s30;
	v9 =	vnsel vm13, $0x0, v9;
	v10 =	vsub.f32 v61, v13;
	v63 =	vadd.f32 v62, v14  }
0x1e3: {  	p1 =	sne.s32 s30, $0x8;
	vm14 =	vgt.s32 v11, $0x3;
	v8 =	vadd.f32 v9, v8  }
.Ltmp7:
0x1e4: {  	v9 =	vnsel vm14, $0x0, v10;
	v10 =	vsub.f32 v63, v27;
	(pc) =	sbr.rel @p1 .LBB2_11-.Ltmp7, $4  }
0x1e5: {  	vm15 =	vgt.s32 v11, $0x4;
	v8 =	vadd.f32 v9, v8  }
0x1e6: {  	v9 =	vnsel vm15, $0x0, v10  }
0x1e7: {  	v8 =	vadd.f32 v9, v8  }
0x1e8: {  	v7 =	vadd.s32 v7, v11  }
.Ltmp8:
0x1e9: {  	(pc) =	sbr.rel @p0 .LBB2_16-.Ltmp8, $1  }
0x1ea: {  	_ =	sdelay $0x3  }
0x1eb: {  	s0 =	sshll.u32 s28, $0xF  }
0x1ec: {  	s0 =	sadd.s32 s0, s10  }
.Ltmp9:
0x1ed: {  	s0 =	sshrl.u32 s0, $0x3;
	(pc) =	sbr.rel .LBB2_2-.Ltmp9, $4  }
0x1ee: {  	s2 =	sadd.s32 s4, s0  }
0x1ef: {  	[tilespmem:s15], [sflag:$0x2] =	stream.linear.gather [hbm4b:s2+s3], $0x4000, $0x38;
	[tilespmem:$0x14980] =	vst v63  }
0x1f0: {  	s28 =	sadd.s32 $0x1, s28;
	s0 =	sadd.s32 s1, s0  }
0x1f1: {  	[tilespmem:s16], [sflag:$0x4] =	stream.linear.gather [hbm4b:s0+s3], $0x4000, $0x38;
	[tilespmem:$0x14980] =	vst v63  }
.LBB2_17:
0x1f2: {  	_ =	sfence.sel $0x180000  }
0x1f3: {  	[bflag:$0x0] =	sbarrier.arrive $0xFFFF  }
0x1f4: {  	_ =	strace $0x90000047  }
0x1f5: {  	s0 =	stileid.u32;
	[bflag:$0x2] =	sbarrier.arrive $0xFFFF  }
0x1f6: {  	p0 =	sne.s32 s0, $0x0;
	s0 =	rddreg [dreg:$0x1]  }
0x1f7: {  	s0 =	sadd.s32 @!p0 $0x100000, s0  }
0x1f8: {  	[sflag:s0] =	ssyncadd.tile.s32 @!p0 $0x1;
	_ =	shalt  }
.Lfunc_end2:
_tile_overlayer_lowered:
.L_overlay_start_2:
0x1f9: {  	(tag) =	ssettag $0x2  }
0x1fa: {  	s0 =	rddreg [dreg:$0x0];
	s2 =	stileid.u32  }
0x1fb: {  	s1 =	rddreg [dreg:$0x1];
	p0 =	sne.s32 s2, $0x0  }
0x1fc: {  	s3 =	rddreg [dreg:$0x2];
	[bflag:$0x3] =	sbarrier.arrive $0xFFFF;
	s2 =	simm.s32 @!p0 $0x1C05  }
0x1fd: {  	[timem:s3], [sflag:s2] =	dma.local @!p0 [hbm:s0], s1  }
0x1fe: {  	s0 =	simm.s32 @!p0 $0x5  }
0x1ff: {  	_ =	swait.ge @!p0 [sflag:s0], s1  }
0x200: {  	s1 =	ssub.s32 @!p0 $0x0, s1;
	[sflag:s0] =	ssyncset.done @!p0 $0x0  }
0x201: {  	[sflag:s0] =	ssyncadd.s32 @!p0 s1  }
0x202: {  	[bflag:$0x3] =	sbarrier.arrive $0xFFFF  }
0x203: {  	_ =	shalt  }

</sc_bundles>
